<compile_context>
chip_gen: v7x
topology: tpu7x:2x2x1
jax: 0.10.2.dev20260603
libtpu: 0.0.44.dev20260713+nightly
codegen_flags: <defaults>
</compile_context>

<pallas_src>
import functools

import jax
import jax.numpy as jnp
from jax import lax
from jax.experimental import pallas as pl
from jax.experimental.pallas import tpu as pltpu
from jax.experimental.pallas import tpu_sc as plsc

L = 320000
D = 128
G = 1024
W = 2 * D

NW = 32
ROWS_PER_W = L // NW
CHUNK = 128
NFULL = ROWS_PER_W // CHUNK
REM = ROWS_PER_W - NFULL * CHUNK


def _tc1_body(f_ref, wk_ref, bk_ref, wv_ref, bv_ref, out_ref):
    f = f_ref[...]
    a = jnp.dot(f, wk_ref[...], preferred_element_type=jnp.float32) + bk_ref[...]
    e = jnp.exp(a)
    v = jnp.dot(f, wv_ref[...], preferred_element_type=jnp.float32) + bv_ref[...]
    out_ref[:, :D] = e * v
    out_ref[:, D:] = e


def _tc1(f_node, Wk, bk, Wv, bv):
    R = 2000
    grid = (L // R,)
    return pl.pallas_call(
        _tc1_body,
        grid=grid,
        in_specs=[
            pl.BlockSpec((R, D), lambda i: (i, 0)),
            pl.BlockSpec((D, D), lambda i: (0, 0)),
            pl.BlockSpec((1, D), lambda i: (0, 0)),
            pl.BlockSpec((D, D), lambda i: (0, 0)),
            pl.BlockSpec((1, D), lambda i: (0, 0)),
        ],
        out_specs=pl.BlockSpec((R, W), lambda i: (i, 0)),
        out_shape=jax.ShapeDtypeStruct((L, W), jnp.float32),
    )(f_node, Wk, bk.reshape(1, D), Wv, bv.reshape(1, D))


def _sc_segsum_spmem(x, gid, zeros):
    mesh = plsc.VectorSubcoreMesh(core_axis_name="c", subcore_axis_name="s")

    @functools.partial(
        pl.kernel,
        mesh=mesh,
        compiler_params=pltpu.CompilerParams(
            use_tc_tiling_on_sc=False, needs_layout_passes=False),
        out_type=jax.ShapeDtypeStruct((2, G, W), jnp.float32),
        scratch_types=[
            pltpu.VMEM((2, CHUNK), jnp.int32),
            pltpu.VMEM((2, CHUNK, W), jnp.float32),
            pltpu.VMEM((1, REM), jnp.int32),
            pltpu.VMEM((REM, W), jnp.float32),
            pltpu.VMEM_SHARED((G, W), jnp.float32),
            pltpu.SemaphoreType.DMA((2,)),
            pltpu.SemaphoreType.DMA((2,)),
            pltpu.SemaphoreType.DMA((2,)),
        ],
    )
    def k(x_hbm, gid_hbm, z_hbm, out_hbm, idx_v, rows_v, idx_r, rows_r, acc_sh,
          gsem, xsem, ssem):
        c = lax.axis_index("c")
        s = lax.axis_index("s")
        wid = s * 2 + c
        base = wid * ROWS_PER_W

        @pl.when(s == 0)
        def _init():
            pltpu.sync_copy(z_hbm, acc_sh)

        plsc.subcore_barrier()

        def issue(i, j):
            r0 = base + i * CHUNK
            pltpu.async_copy(gid_hbm.at[pl.ds(r0, CHUNK)], idx_v.at[j],
                             gsem.at[j])
            pltpu.async_copy(x_hbm.at[pl.ds(r0, CHUNK)], rows_v.at[j],
                             xsem.at[j])

        issue(0, 0)

        def body(i, carry):
            j = lax.rem(i, 2)
            jn = lax.rem(i + 1, 2)

            @pl.when(i + 1 < NFULL)
            def _prefetch():
                @pl.when(i >= 1)
                def _drain():
                    pltpu.make_async_copy(
                        rows_v.at[jn], acc_sh.at[idx_v.at[jn]],
                        ssem.at[jn]).wait()
                issue(i + 1, jn)

            r0 = base + i * CHUNK
            pltpu.make_async_copy(gid_hbm.at[pl.ds(r0, CHUNK)], idx_v.at[j],
                                  gsem.at[j]).wait()
            pltpu.make_async_copy(x_hbm.at[pl.ds(r0, CHUNK)], rows_v.at[j],
                                  xsem.at[j]).wait()
            pltpu.async_copy(rows_v.at[j], acc_sh.at[idx_v.at[j]], ssem.at[j],
                             add=True)
            return carry

        lax.fori_loop(0, NFULL, body, 0)
        jl = lax.rem(NFULL - 1, 2)
        pltpu.make_async_copy(rows_v.at[1 - jl], acc_sh.at[idx_v.at[1 - jl]],
                              ssem.at[1 - jl]).wait()
        pltpu.make_async_copy(rows_v.at[jl], acc_sh.at[idx_v.at[jl]],
                              ssem.at[jl]).wait()

        r0 = base + NFULL * CHUNK
        pltpu.sync_copy(gid_hbm.at[pl.ds(r0, REM)], idx_r.at[0])
        pltpu.sync_copy(x_hbm.at[pl.ds(r0, REM)], rows_r)
        pltpu.sync_copy(rows_r, acc_sh.at[idx_r.at[0]], add=True)

        plsc.subcore_barrier()

        @pl.when(s == 0)
        def _out():
            pltpu.sync_copy(acc_sh, out_hbm.at[c])

    return k(x, gid, zeros)


def _tc2_body(p_ref, g_ref, b_ref, out_ref):
    p = jnp.sum(p_ref[...], axis=0)
    num = p[:, :D]
    den = p[:, D:]
    x = num / (den + 1e-07)
    mean = jnp.mean(x, axis=-1, keepdims=True)
    var = jnp.mean((x - mean) ** 2, axis=-1, keepdims=True)
    out_ref[...] = (x - mean) * lax.rsqrt(var + 1e-05) * g_ref[...] + b_ref[...]


def _tc2(partials, gamma, beta):
    np_ = partials.shape[0]
    return pl.pallas_call(
        _tc2_body,
        in_specs=[
            pl.BlockSpec((np_, G, W), lambda: (0, 0, 0)),
            pl.BlockSpec((1, D), lambda: (0, 0)),
            pl.BlockSpec((1, D), lambda: (0, 0)),
        ],
        out_specs=pl.BlockSpec((G, D), lambda: (0, 0)),
        out_shape=jax.ShapeDtypeStruct((G, D), jnp.float32),
    )(partials, gamma.reshape(1, D), beta.reshape(1, D))


def kernel(f_node, graph_id, Wk, bk, Wv, bv, gamma, beta):
    gid = graph_id.astype(jnp.int32)
    x = _tc1(f_node, Wk, bk, Wv, bv)
    partials = _sc_segsum_spmem(x, gid, jnp.zeros((G, W), jnp.float32))
    return _tc2(partials, gamma, beta)

# --- scband reference (transcript-rebuilt; emitter-appended) ---
"""Pipeline reference for scband-attn-graph-pooling-87196426043574 (READ-ONLY COPY).

The authoritative reference and input builder live on the scoring server;
editing this copy changes nothing except your own understanding.
"""

import jax, jax.numpy as jnp
import numpy as np

L = 320000
D = 128
NUM_SEGMENTS = 1024

def setup_inputs(seed: int = 0) -> dict:
    key = jax.random.key(seed)
    k1, k2, k3, k4, k5 = jax.random.split(key, 5)
    f_node = jax.random.normal(k1, (L, D), dtype=jnp.float32)
    graph_id = jnp.sort(jax.random.randint(k2, (L,), 0, NUM_SEGMENTS, dtype=jnp.int64))
    s = 1.0 / np.sqrt(D)
    Wk = jax.random.uniform(k3, (D, D), dtype=jnp.float32, minval=-s, maxval=s)
    bk = jnp.zeros((D,), dtype=jnp.float32)
    Wv = jax.random.uniform(k4, (D, D), dtype=jnp.float32, minval=-s, maxval=s)
    bv = jnp.zeros((D,), dtype=jnp.float32)
    gamma = jnp.ones((D,), dtype=jnp.float32)
    beta = jnp.zeros((D,), dtype=jnp.float32)
    return {"f_node": f_node, "graph_id": graph_id, "Wk": Wk, "bk": bk, "Wv": Wv, "bv": bv, "gamma": gamma, "beta": beta}

def reference(f_node, graph_id, Wk, bk, Wv, bv, gamma, beta):
    # eval mode: dropout is identity, no random masking of attn logits
    attn = f_node @ Wk + bk  # [L, D]
    # scatter_softmax over dim=0 grouped by graph_id, per feature channel
    max_per_index = jax.ops.segment_max(attn, graph_id, num_segments=NUM_SEGMENTS)  # [G, D]
    max_per_src = max_per_index[graph_id]  # [L, D]
    recentered_exp = jnp.exp(attn - max_per_src)
    sum_per_index = jax.ops.segment_sum(recentered_exp, graph_id, num_segments=NUM_SEGMENTS)
    attn_sm = recentered_exp / (sum_per_index[graph_id] + 1e-07)
    # weighted segment sum of values
    val = f_node @ Wv + bv
    f_graph = jax.ops.segment_sum(val * attn_sm, graph_id, num_segments=NUM_SEGMENTS)  # [G, D]
    # LayerNorm (eval: dropout identity)
    mean = jnp.mean(f_graph, axis=-1, keepdims=True)
    var = jnp.mean((f_graph - mean) ** 2, axis=-1, keepdims=True)
    out = (f_graph - mean) / jnp.sqrt(var + 1e-05) * gamma + beta
    return out

if __name__ == "__main__":
    import jax
    _d = setup_inputs()
    print(jax.jit(kernel)(*tuple(_d.values())))

</pallas_src>

<mosaic_0001>
#map = affine_map<(d0, d1) -> (0, 0)>
#map1 = affine_map<(d0, d1) -> (0)>
#map2 = affine_map<(d0, d1) -> (0, 0, 0)>
module attributes {stable_mosaic.version = 14 : i64} {
  func.func @k(%arg0: i32, %arg1: i32, %arg2: memref<320000x256xf32, #tpu.memory_space<hbm>>, %arg3: memref<320000xi32, #tpu.memory_space<hbm>>, %arg4: memref<1024x256xf32, #tpu.memory_space<hbm>>, %arg5: memref<2x1024x256xf32, #tpu.memory_space<hbm>>, %arg6: memref<2x128xi32, #tpu.memory_space<vmem>>, %arg7: memref<2x128x256xf32, #tpu.memory_space<vmem>>, %arg8: memref<1x16xi32, #tpu.memory_space<vmem>>, %arg9: memref<16x256xf32, #tpu.memory_space<vmem>>, %arg10: memref<1024x256xf32, #tpu.memory_space<vmem_shared>>, %arg11: memref<2x!tpu.dma_semaphore, #tpu.memory_space<semaphore_mem>>, %arg12: memref<2x!tpu.dma_semaphore, #tpu.memory_space<semaphore_mem>>, %arg13: memref<2x!tpu.dma_semaphore, #tpu.memory_space<semaphore_mem>>) attributes {dimension_semantics = [#tpu.dimension_semantics<core_parallel>, #tpu.dimension_semantics<subcore_parallel>], iteration_bounds = array<i64: 2, 16>, scalar_prefetch = 0 : i64, scratch_operands = 8 : i64, tpu.core_type = #tpu.core_type<sc_vector_subcore>, window_params = [{transform_indices = #map}, {transform_indices = #map1}, {transform_indices = #map}, {transform_indices = #map2}]} {
    %mul3A = arith.constant 2 : i32
    %mul3A_0 = arith.muli %arg1, %mul3A : i32
    %add3A = arith.addi %mul3A_0, %arg0 : i32
    %mul3A_1 = arith.constant 10000 : i32
    %mul3A_2 = arith.muli %add3A, %mul3A_1 : i32
    %eq3A = arith.constant 0 : i32
    %eq3A_3 = arith.cmpi eq, %arg1, %eq3A : i32
    %convert_element_type3A = arith.extui %eq3A_3 : i1 to i32
    %cond3A = arith.constant 0 : i32
    %cond3A_4 = arith.cmpi ne, %convert_element_type3A, %cond3A : i32
    scf.if %cond3A_4 {
      "tpu.region"() ({
        %run_scoped3A_78 = tpu.sem_alloc : memref<!tpu.dma_semaphore, #tpu.memory_space<semaphore_mem>>
        tpu.enqueue_dma source(%arg4 : memref<1024x256xf32, #tpu.memory_space<hbm>>) target(%arg10 : memref<1024x256xf32, #tpu.memory_space<vmem_shared>>) target_semaphore(%run_scoped3A_78 : memref<!tpu.dma_semaphore, #tpu.memory_space<semaphore_mem>>)
        tpu.wait_dma2 semaphore(%run_scoped3A_78 : memref<!tpu.dma_semaphore, #tpu.memory_space<semaphore_mem>>) src(%arg4 : memref<1024x256xf32, #tpu.memory_space<hbm>>) dst(%arg10 : memref<1024x256xf32, #tpu.memory_space<vmem_shared>>)
        tpu.yield
      }) : () -> ()
    } else {
    }
    %barrier3A = arith.constant 0 : index
    tpu.barrier barrier_id(%barrier3A)
    %add3A_5 = arith.constant 0 : i32
    %add3A_6 = arith.addi %mul3A_2, %add3A_5 : i32
    %dma_start3A = arith.constant 0 : i32
    %dma_start3A_7 = arith.constant 0 : i32
    %dma_start3A_8 = arith.constant 0 : i32
    %dma_start3A_9 = tpu.memref_slice %arg6[%dma_start3A, %dma_start3A_8] : memref<2x128xi32, #tpu.memory_space<vmem>> -> memref<1x128xi32, #tpu.memory_space<vmem>>
    %dma_start3A_10 = tpu.memref_squeeze %dma_start3A_9 : memref<1x128xi32, #tpu.memory_space<vmem>> -> memref<128xi32, #tpu.memory_space<vmem>>
    %dma_start3A_11 = tpu.memref_slice %arg3[%add3A_6] : memref<320000xi32, #tpu.memory_space<hbm>> -> memref<128xi32, #tpu.memory_space<hbm>>
    %dma_start3A_12 = tpu.memref_slice %arg11[%dma_start3A_7] : memref<2x!tpu.dma_semaphore, #tpu.memory_space<semaphore_mem>> -> memref<1x!tpu.dma_semaphore, #tpu.memory_space<semaphore_mem>>
    %dma_start3A_13 = tpu.memref_squeeze %dma_start3A_12 : memref<1x!tpu.dma_semaphore, #tpu.memory_space<semaphore_mem>> -> memref<!tpu.dma_semaphore, #tpu.memory_space<semaphore_mem>>
    %dma_start3A_14 = arith.constant 0 : i32
    %dma_start3A_15 = tpu.memref_slice %arg6[%dma_start3A, %dma_start3A_14] : memref<2x128xi32, #tpu.memory_space<vmem>> -> memref<1x128xi32, #tpu.memory_space<vmem>>
    %dma_start3A_16 = tpu.memref_squeeze %dma_start3A_15 : memref<1x128xi32, #tpu.memory_space<vmem>> -> memref<128xi32, #tpu.memory_space<vmem>>
    %dma_start3A_17 = tpu.memref_slice %arg3[%add3A_6] : memref<320000xi32, #tpu.memory_space<hbm>> -> memref<128xi32, #tpu.memory_space<hbm>>
    tpu.enqueue_dma source(%dma_start3A_17 : memref<128xi32, #tpu.memory_space<hbm>>) target(%dma_start3A_16 : memref<128xi32, #tpu.memory_space<vmem>>) target_semaphore(%dma_start3A_13 : memref<!tpu.dma_semaphore, #tpu.memory_space<semaphore_mem>>)
    %dma_start3A_18 = arith.constant 0 : i32
    %dma_start3A_19 = arith.constant 0 : i32
    %dma_start3A_20 = arith.constant 0 : i32
    %dma_start3A_21 = arith.constant 0 : i32
    %dma_start3A_22 = tpu.memref_slice %arg7[%dma_start3A_18, %dma_start3A_20, %dma_start3A_21] : memref<2x128x256xf32, #tpu.memory_space<vmem>> -> memref<1x128x256xf32, #tpu.memory_space<vmem>>
    %dma_start3A_23 = tpu.memref_squeeze %dma_start3A_22 : memref<1x128x256xf32, #tpu.memory_space<vmem>> -> memref<128x256xf32, #tpu.memory_space<vmem>>
    %dma_start3A_24 = arith.constant 0 : i32
    %dma_start3A_25 = tpu.memref_slice %arg2[%add3A_6, %dma_start3A_24] : memref<320000x256xf32, #tpu.memory_space<hbm>> -> memref<128x256xf32, #tpu.memory_space<hbm>>
    %dma_start3A_26 = tpu.memref_slice %arg12[%dma_start3A_19] : memref<2x!tpu.dma_semaphore, #tpu.memory_space<semaphore_mem>> -> memref<1x!tpu.dma_semaphore, #tpu.memory_space<semaphore_mem>>
    %dma_start3A_27 = tpu.memref_squeeze %dma_start3A_26 : memref<1x!tpu.dma_semaphore, #tpu.memory_space<semaphore_mem>> -> memref<!tpu.dma_semaphore, #tpu.memory_space<semaphore_mem>>
    %dma_start3A_28 = arith.constant 0 : i32
    %dma_start3A_29 = arith.constant 0 : i32
    %dma_start3A_30 = tpu.memref_slice %arg7[%dma_start3A_18, %dma_start3A_28, %dma_start3A_29] : memref<2x128x256xf32, #tpu.memory_space<vmem>> -> memref<1x128x256xf32, #tpu.memory_space<vmem>>
    %dma_start3A_31 = tpu.memref_squeeze %dma_start3A_30 : memref<1x128x256xf32, #tpu.memory_space<vmem>> -> memref<128x256xf32, #tpu.memory_space<vmem>>
    %dma_start3A_32 = arith.constant 0 : i32
    %dma_start3A_33 = tpu.memref_slice %arg2[%add3A_6, %dma_start3A_32] : memref<320000x256xf32, #tpu.memory_space<hbm>> -> memref<128x256xf32, #tpu.memory_space<hbm>>
    tpu.enqueue_dma source(%dma_start3A_33 : memref<128x256xf32, #tpu.memory_space<hbm>>) target(%dma_start3A_31 : memref<128x256xf32, #tpu.memory_space<vmem>>) target_semaphore(%dma_start3A_27 : memref<!tpu.dma_semaphore, #tpu.memory_space<semaphore_mem>>)
    %scan3A = arith.constant 0 : i32
    %scan3A_34 = arith.constant 0 : i32
    %scan3A_35 = arith.constant 78 : i32
    %scan3A_36 = arith.addi %scan3A_34, %scan3A_35 : i32
    %scan3A_37 = arith.constant 1 : i32
    scf.for %scan3A_78 = %scan3A_34 to %scan3A_36 step %scan3A_37  : i32 {
      %rem3A_79 = arith.constant 2 : i32
      %rem3A_80 = arith.remsi %scan3A_78, %rem3A_79 : i32
      %add3A_81 = arith.constant 1 : i32
      %add3A_82 = arith.addi %scan3A_78, %add3A_81 : i32
      %rem3A_83 = arith.constant 2 : i32
      %rem3A_84 = arith.remsi %add3A_82, %rem3A_83 : i32
      %add3A_85 = arith.constant 1 : i32
      %add3A_86 = arith.addi %scan3A_78, %add3A_85 : i32
      %lt3A = arith.constant 78 : i32
      %lt3A_87 = arith.cmpi slt, %add3A_86, %lt3A : i32
      %convert_element_type3A_88 = arith.extui %lt3A_87 : i1 to i32
      %cond3A_89 = arith.constant 0 : i32
      %cond3A_90 = arith.cmpi ne, %convert_element_type3A_88, %cond3A_89 : i32
      scf.if %cond3A_90 {
        %ge3A = arith.constant 1 : i32
        %ge3A_130 = arith.cmpi sge, %scan3A_78, %ge3A : i32
        %convert_element_type3A_131 = arith.extui %ge3A_130 : i1 to i32
        %cond3A_132 = arith.constant 0 : i32
        %cond3A_133 = arith.cmpi ne, %convert_element_type3A_131, %cond3A_132 : i32
        scf.if %cond3A_133 {
          %dma_wait3A_163 = arith.constant 0 : i32
          %dma_wait3A_164 = arith.constant 0 : i32
          %dma_wait3A_165 = tpu.memref_slice %arg7[%rem3A_84, %dma_wait3A_163, %dma_wait3A_164] : memref<2x128x256xf32, #tpu.memory_space<vmem>> -> memref<1x128x256xf32, #tpu.memory_space<vmem>>
          %dma_wait3A_166 = tpu.memref_squeeze %dma_wait3A_165 : memref<1x128x256xf32, #tpu.memory_space<vmem>> -> memref<128x256xf32, #tpu.memory_space<vmem>>
          %dma_wait3A_167 = arith.constant 0 : i32
          %dma_wait3A_168 = tpu.memref_slice %arg6[%rem3A_84, %dma_wait3A_167] : memref<2x128xi32, #tpu.memory_space<vmem>> -> memref<1x128xi32, #tpu.memory_space<vmem>>
          %dma_wait3A_169 = tpu.memref_squeeze %dma_wait3A_168 : memref<1x128xi32, #tpu.memory_space<vmem>> -> memref<128xi32, #tpu.memory_space<vmem>>
          %dma_wait3A_170 = arith.constant 0 : i32
          %dma_wait3A_171 = arith.constant 0 : i32
          %dma_wait3A_172 = tpu.memref_slice %arg10[%dma_wait3A_170, %dma_wait3A_171] : memref<1024x256xf32, #tpu.memory_space<vmem_shared>> -> memref<1024x256xf32, #tpu.memory_space<vmem_shared>>
          %dma_wait3A_173 = tpu.memref_slice %arg13[%rem3A_84] : memref<2x!tpu.dma_semaphore, #tpu.memory_space<semaphore_mem>> -> memref<1x!tpu.dma_semaphore, #tpu.memory_space<semaphore_mem>>
          %dma_wait3A_174 = tpu.memref_squeeze %dma_wait3A_173 : memref<1x!tpu.dma_semaphore, #tpu.memory_space<semaphore_mem>> -> memref<!tpu.dma_semaphore, #tpu.memory_space<semaphore_mem>>
          tpu.wait_indirect_dma semaphore(%dma_wait3A_174 : memref<!tpu.dma_semaphore, #tpu.memory_space<semaphore_mem>>) src(%dma_wait3A_166 : memref<128x256xf32, #tpu.memory_space<vmem>>) dst(%dma_wait3A_172 : memref<1024x256xf32, #tpu.memory_space<vmem_shared>>)
        } else {
        }
        %add3A_134 = arith.constant 1 : i32
        %add3A_135 = arith.addi %scan3A_78, %add3A_134 : i32
        %mul3A_136 = arith.constant 128 : i32
        %mul3A_137 = arith.muli %add3A_135, %mul3A_136 : i32
        %add3A_138 = arith.addi %mul3A_2, %mul3A_137 : i32
        %dma_start3A_139 = arith.constant 0 : i32
        %dma_start3A_140 = tpu.memref_slice %arg6[%rem3A_84, %dma_start3A_139] : memref<2x128xi32, #tpu.memory_space<vmem>> -> memref<1x128xi32, #tpu.memory_space<vmem>>
        %dma_start3A_141 = tpu.memref_squeeze %dma_start3A_140 : memref<1x128xi32, #tpu.memory_space<vmem>> -> memref<128xi32, #tpu.memory_space<vmem>>
        %dma_start3A_142 = tpu.memref_slice %arg3[%add3A_138] : memref<320000xi32, #tpu.memory_space<hbm>> -> memref<128xi32, #tpu.memory_space<hbm>>
        %dma_start3A_143 = tpu.memref_slice %arg11[%rem3A_84] : memref<2x!tpu.dma_semaphore, #tpu.memory_space<semaphore_mem>> -> memref<1x!tpu.dma_semaphore, #tpu.memory_space<semaphore_mem>>
        %dma_start3A_144 = tpu.memref_squeeze %dma_start3A_143 : memref<1x!tpu.dma_semaphore, #tpu.memory_space<semaphore_mem>> -> memref<!tpu.dma_semaphore, #tpu.memory_space<semaphore_mem>>
        %dma_start3A_145 = arith.constant 0 : i32
        %dma_start3A_146 = tpu.memref_slice %arg6[%rem3A_84, %dma_start3A_145] : memref<2x128xi32, #tpu.memory_space<vmem>> -> memref<1x128xi32, #tpu.memory_space<vmem>>
        %dma_start3A_147 = tpu.memref_squeeze %dma_start3A_146 : memref<1x128xi32, #tpu.memory_space<vmem>> -> memref<128xi32, #tpu.memory_space<vmem>>
        %dma_start3A_148 = tpu.memref_slice %arg3[%add3A_138] : memref<320000xi32, #tpu.memory_space<hbm>> -> memref<128xi32, #tpu.memory_space<hbm>>
        tpu.enqueue_dma source(%dma_start3A_148 : memref<128xi32, #tpu.memory_space<hbm>>) target(%dma_start3A_147 : memref<128xi32, #tpu.memory_space<vmem>>) target_semaphore(%dma_start3A_144 : memref<!tpu.dma_semaphore, #tpu.memory_space<semaphore_mem>>)
        %dma_start3A_149 = arith.constant 0 : i32
        %dma_start3A_150 = arith.constant 0 : i32
        %dma_start3A_151 = tpu.memref_slice %arg7[%rem3A_84, %dma_start3A_149, %dma_start3A_150] : memref<2x128x256xf32, #tpu.memory_space<vmem>> -> memref<1x128x256xf32, #tpu.memory_space<vmem>>
        %dma_start3A_152 = tpu.memref_squeeze %dma_start3A_151 : memref<1x128x256xf32, #tpu.memory_space<vmem>> -> memref<128x256xf32, #tpu.memory_space<vmem>>
        %dma_start3A_153 = arith.constant 0 : i32
        %dma_start3A_154 = tpu.memref_slice %arg2[%add3A_138, %dma_start3A_153] : memref<320000x256xf32, #tpu.memory_space<hbm>> -> memref<128x256xf32, #tpu.memory_space<hbm>>
        %dma_start3A_155 = tpu.memref_slice %arg12[%rem3A_84] : memref<2x!tpu.dma_semaphore, #tpu.memory_space<semaphore_mem>> -> memref<1x!tpu.dma_semaphore, #tpu.memory_space<semaphore_mem>>
        %dma_start3A_156 = tpu.memref_squeeze %dma_start3A_155 : memref<1x!tpu.dma_semaphore, #tpu.memory_space<semaphore_mem>> -> memref<!tpu.dma_semaphore, #tpu.memory_space<semaphore_mem>>
        %dma_start3A_157 = arith.constant 0 : i32
        %dma_start3A_158 = arith.constant 0 : i32
        %dma_start3A_159 = tpu.memref_slice %arg7[%rem3A_84, %dma_start3A_157, %dma_start3A_158] : memref<2x128x256xf32, #tpu.memory_space<vmem>> -> memref<1x128x256xf32, #tpu.memory_space<vmem>>
        %dma_start3A_160 = tpu.memref_squeeze %dma_start3A_159 : memref<1x128x256xf32, #tpu.memory_space<vmem>> -> memref<128x256xf32, #tpu.memory_space<vmem>>
        %dma_start3A_161 = arith.constant 0 : i32
        %dma_start3A_162 = tpu.memref_slice %arg2[%add3A_138, %dma_start3A_161] : memref<320000x256xf32, #tpu.memory_space<hbm>> -> memref<128x256xf32, #tpu.memory_space<hbm>>
        tpu.enqueue_dma source(%dma_start3A_162 : memref<128x256xf32, #tpu.memory_space<hbm>>) target(%dma_start3A_160 : memref<128x256xf32, #tpu.memory_space<vmem>>) target_semaphore(%dma_start3A_156 : memref<!tpu.dma_semaphore, #tpu.memory_space<semaphore_mem>>)
      } else {
      }
      %mul3A_91 = arith.constant 128 : i32
      %mul3A_92 = arith.muli %scan3A_78, %mul3A_91 : i32
      %add3A_93 = arith.addi %mul3A_2, %mul3A_92 : i32
      %dma_wait3A_94 = arith.constant 0 : i32
      %dma_wait3A_95 = tpu.memref_slice %arg6[%rem3A_80, %dma_wait3A_94] : memref<2x128xi32, #tpu.memory_space<vmem>> -> memref<1x128xi32, #tpu.memory_space<vmem>>
      %dma_wait3A_96 = tpu.memref_squeeze %dma_wait3A_95 : memref<1x128xi32, #tpu.memory_space<vmem>> -> memref<128xi32, #tpu.memory_space<vmem>>
      %dma_wait3A_97 = tpu.memref_slice %arg3[%add3A_93] : memref<320000xi32, #tpu.memory_space<hbm>> -> memref<128xi32, #tpu.memory_space<hbm>>
      %dma_wait3A_98 = tpu.memref_slice %arg11[%rem3A_80] : memref<2x!tpu.dma_semaphore, #tpu.memory_space<semaphore_mem>> -> memref<1x!tpu.dma_semaphore, #tpu.memory_space<semaphore_mem>>
      %dma_wait3A_99 = tpu.memref_squeeze %dma_wait3A_98 : memref<1x!tpu.dma_semaphore, #tpu.memory_space<semaphore_mem>> -> memref<!tpu.dma_semaphore, #tpu.memory_space<semaphore_mem>>
      %dma_wait3A_100 = arith.constant 0 : i32
      %dma_wait3A_101 = tpu.memref_slice %arg6[%rem3A_80, %dma_wait3A_100] : memref<2x128xi32, #tpu.memory_space<vmem>> -> memref<1x128xi32, #tpu.memory_space<vmem>>
      %dma_wait3A_102 = tpu.memref_squeeze %dma_wait3A_101 : memref<1x128xi32, #tpu.memory_space<vmem>> -> memref<128xi32, #tpu.memory_space<vmem>>
      %dma_wait3A_103 = tpu.memref_slice %arg3[%add3A_93] : memref<320000xi32, #tpu.memory_space<hbm>> -> memref<128xi32, #tpu.memory_space<hbm>>
      tpu.wait_dma2 semaphore(%dma_wait3A_99 : memref<!tpu.dma_semaphore, #tpu.memory_space<semaphore_mem>>) src(%dma_wait3A_103 : memref<128xi32, #tpu.memory_space<hbm>>) dst(%dma_wait3A_102 : memref<128xi32, #tpu.memory_space<vmem>>)
      %dma_wait3A_104 = arith.constant 0 : i32
      %dma_wait3A_105 = arith.constant 0 : i32
      %dma_wait3A_106 = tpu.memref_slice %arg7[%rem3A_80, %dma_wait3A_104, %dma_wait3A_105] : memref<2x128x256xf32, #tpu.memory_space<vmem>> -> memref<1x128x256xf32, #tpu.memory_space<vmem>>
      %dma_wait3A_107 = tpu.memref_squeeze %dma_wait3A_106 : memref<1x128x256xf32, #tpu.memory_space<vmem>> -> memref<128x256xf32, #tpu.memory_space<vmem>>
      %dma_wait3A_108 = arith.constant 0 : i32
      %dma_wait3A_109 = tpu.memref_slice %arg2[%add3A_93, %dma_wait3A_108] : memref<320000x256xf32, #tpu.memory_space<hbm>> -> memref<128x256xf32, #tpu.memory_space<hbm>>
      %dma_wait3A_110 = tpu.memref_slice %arg12[%rem3A_80] : memref<2x!tpu.dma_semaphore, #tpu.memory_space<semaphore_mem>> -> memref<1x!tpu.dma_semaphore, #tpu.memory_space<semaphore_mem>>
      %dma_wait3A_111 = tpu.memref_squeeze %dma_wait3A_110 : memref<1x!tpu.dma_semaphore, #tpu.memory_space<semaphore_mem>> -> memref<!tpu.dma_semaphore, #tpu.memory_space<semaphore_mem>>
      %dma_wait3A_112 = arith.constant 0 : i32
      %dma_wait3A_113 = arith.constant 0 : i32
      %dma_wait3A_114 = tpu.memref_slice %arg7[%rem3A_80, %dma_wait3A_112, %dma_wait3A_113] : memref<2x128x256xf32, #tpu.memory_space<vmem>> -> memref<1x128x256xf32, #tpu.memory_space<vmem>>
      %dma_wait3A_115 = tpu.memref_squeeze %dma_wait3A_114 : memref<1x128x256xf32, #tpu.memory_space<vmem>> -> memref<128x256xf32, #tpu.memory_space<vmem>>
      %dma_wait3A_116 = arith.constant 0 : i32
      %dma_wait3A_117 = tpu.memref_slice %arg2[%add3A_93, %dma_wait3A_116] : memref<320000x256xf32, #tpu.memory_space<hbm>> -> memref<128x256xf32, #tpu.memory_space<hbm>>
      tpu.wait_dma2 semaphore(%dma_wait3A_111 : memref<!tpu.dma_semaphore, #tpu.memory_space<semaphore_mem>>) src(%dma_wait3A_117 : memref<128x256xf32, #tpu.memory_space<hbm>>) dst(%dma_wait3A_115 : memref<128x256xf32, #tpu.memory_space<vmem>>)
      %dma_start3A_118 = arith.constant 0 : i32
      %dma_start3A_119 = arith.constant 0 : i32
      %dma_start3A_120 = tpu.memref_slice %arg7[%rem3A_80, %dma_start3A_118, %dma_start3A_119] : memref<2x128x256xf32, #tpu.memory_space<vmem>> -> memref<1x128x256xf32, #tpu.memory_space<vmem>>
      %dma_start3A_121 = tpu.memref_squeeze %dma_start3A_120 : memref<1x128x256xf32, #tpu.memory_space<vmem>> -> memref<128x256xf32, #tpu.memory_space<vmem>>
      %dma_start3A_122 = arith.constant 0 : i32
      %dma_start3A_123 = tpu.memref_slice %arg6[%rem3A_80, %dma_start3A_122] : memref<2x128xi32, #tpu.memory_space<vmem>> -> memref<1x128xi32, #tpu.memory_space<vmem>>
      %dma_start3A_124 = tpu.memref_squeeze %dma_start3A_123 : memref<1x128xi32, #tpu.memory_space<vmem>> -> memref<128xi32, #tpu.memory_space<vmem>>
      %dma_start3A_125 = arith.constant 0 : i32
      %dma_start3A_126 = arith.constant 0 : i32
      %dma_start3A_127 = tpu.memref_slice %arg10[%dma_start3A_125, %dma_start3A_126] : memref<1024x256xf32, #tpu.memory_space<vmem_shared>> -> memref<1024x256xf32, #tpu.memory_space<vmem_shared>>
      %dma_start3A_128 = tpu.memref_slice %arg13[%rem3A_80] : memref<2x!tpu.dma_semaphore, #tpu.memory_space<semaphore_mem>> -> memref<1x!tpu.dma_semaphore, #tpu.memory_space<semaphore_mem>>
      %dma_start3A_129 = tpu.memref_squeeze %dma_start3A_128 : memref<1x!tpu.dma_semaphore, #tpu.memory_space<semaphore_mem>> -> memref<!tpu.dma_semaphore, #tpu.memory_space<semaphore_mem>>
      tpu.enqueue_indirect_dma source(%dma_start3A_121 : memref<128x256xf32, #tpu.memory_space<vmem>>) target(%dma_start3A_127 : memref<1024x256xf32, #tpu.memory_space<vmem_shared>>) offsets(%dma_start3A_124 : memref<128xi32, #tpu.memory_space<vmem>>) semaphore(%dma_start3A_129 : memref<!tpu.dma_semaphore, #tpu.memory_space<semaphore_mem>>) {add = true}
    }
    %scan3A_38 = arith.constant 78 : i32
    %rem3A = arith.constant 77 : i32
    %rem3A_39 = arith.constant 2 : i32
    %rem3A_40 = arith.remsi %rem3A, %rem3A_39 : i32
    %sub3A = arith.constant 1 : i32
    %sub3A_41 = arith.subi %sub3A, %rem3A_40 : i32
    %sub3A_42 = arith.constant 1 : i32
    %sub3A_43 = arith.subi %sub3A_42, %rem3A_40 : i32
    %sub3A_44 = arith.constant 1 : i32
    %sub3A_45 = arith.subi %sub3A_44, %rem3A_40 : i32
    %dma_wait3A = arith.constant 0 : i32
    %dma_wait3A_46 = arith.constant 0 : i32
    %dma_wait3A_47 = tpu.memref_slice %arg7[%sub3A_41, %dma_wait3A, %dma_wait3A_46] : memref<2x128x256xf32, #tpu.memory_space<vmem>> -> memref<1x128x256xf32, #tpu.memory_space<vmem>>
    %dma_wait3A_48 = tpu.memref_squeeze %dma_wait3A_47 : memref<1x128x256xf32, #tpu.memory_space<vmem>> -> memref<128x256xf32, #tpu.memory_space<vmem>>
    %dma_wait3A_49 = arith.constant 0 : i32
    %dma_wait3A_50 = tpu.memref_slice %arg6[%sub3A_43, %dma_wait3A_49] : memref<2x128xi32, #tpu.memory_space<vmem>> -> memref<1x128xi32, #tpu.memory_space<vmem>>
    %dma_wait3A_51 = tpu.memref_squeeze %dma_wait3A_50 : memref<1x128xi32, #tpu.memory_space<vmem>> -> memref<128xi32, #tpu.memory_space<vmem>>
    %dma_wait3A_52 = arith.constant 0 : i32
    %dma_wait3A_53 = arith.constant 0 : i32
    %dma_wait3A_54 = tpu.memref_slice %arg10[%dma_wait3A_52, %dma_wait3A_53] : memref<1024x256xf32, #tpu.memory_space<vmem_shared>> -> memref<1024x256xf32, #tpu.memory_space<vmem_shared>>
    %dma_wait3A_55 = tpu.memref_slice %arg13[%sub3A_45] : memref<2x!tpu.dma_semaphore, #tpu.memory_space<semaphore_mem>> -> memref<1x!tpu.dma_semaphore, #tpu.memory_space<semaphore_mem>>
    %dma_wait3A_56 = tpu.memref_squeeze %dma_wait3A_55 : memref<1x!tpu.dma_semaphore, #tpu.memory_space<semaphore_mem>> -> memref<!tpu.dma_semaphore, #tpu.memory_space<semaphore_mem>>
    tpu.wait_indirect_dma semaphore(%dma_wait3A_56 : memref<!tpu.dma_semaphore, #tpu.memory_space<semaphore_mem>>) src(%dma_wait3A_48 : memref<128x256xf32, #tpu.memory_space<vmem>>) dst(%dma_wait3A_54 : memref<1024x256xf32, #tpu.memory_space<vmem_shared>>)
    %dma_wait3A_57 = arith.constant 0 : i32
    %dma_wait3A_58 = arith.constant 0 : i32
    %dma_wait3A_59 = tpu.memref_slice %arg7[%rem3A_40, %dma_wait3A_57, %dma_wait3A_58] : memref<2x128x256xf32, #tpu.memory_space<vmem>> -> memref<1x128x256xf32, #tpu.memory_space<vmem>>
    %dma_wait3A_60 = tpu.memref_squeeze %dma_wait3A_59 : memref<1x128x256xf32, #tpu.memory_space<vmem>> -> memref<128x256xf32, #tpu.memory_space<vmem>>
    %dma_wait3A_61 = arith.constant 0 : i32
    %dma_wait3A_62 = tpu.memref_slice %arg6[%rem3A_40, %dma_wait3A_61] : memref<2x128xi32, #tpu.memory_space<vmem>> -> memref<1x128xi32, #tpu.memory_space<vmem>>
    %dma_wait3A_63 = tpu.memref_squeeze %dma_wait3A_62 : memref<1x128xi32, #tpu.memory_space<vmem>> -> memref<128xi32, #tpu.memory_space<vmem>>
    %dma_wait3A_64 = arith.constant 0 : i32
    %dma_wait3A_65 = arith.constant 0 : i32
    %dma_wait3A_66 = tpu.memref_slice %arg10[%dma_wait3A_64, %dma_wait3A_65] : memref<1024x256xf32, #tpu.memory_space<vmem_shared>> -> memref<1024x256xf32, #tpu.memory_space<vmem_shared>>
    %dma_wait3A_67 = tpu.memref_slice %arg13[%rem3A_40] : memref<2x!tpu.dma_semaphore, #tpu.memory_space<semaphore_mem>> -> memref<1x!tpu.dma_semaphore, #tpu.memory_space<semaphore_mem>>
    %dma_wait3A_68 = tpu.memref_squeeze %dma_wait3A_67 : memref<1x!tpu.dma_semaphore, #tpu.memory_space<semaphore_mem>> -> memref<!tpu.dma_semaphore, #tpu.memory_space<semaphore_mem>>
    tpu.wait_indirect_dma semaphore(%dma_wait3A_68 : memref<!tpu.dma_semaphore, #tpu.memory_space<semaphore_mem>>) src(%dma_wait3A_60 : memref<128x256xf32, #tpu.memory_space<vmem>>) dst(%dma_wait3A_66 : memref<1024x256xf32, #tpu.memory_space<vmem_shared>>)
    %add3A_69 = arith.constant 9984 : i32
    %add3A_70 = arith.addi %mul3A_2, %add3A_69 : i32
    %run_scoped3A = arith.constant 0 : i32
    "tpu.region"() ({
      %run_scoped3A_78 = tpu.sem_alloc : memref<!tpu.dma_semaphore, #tpu.memory_space<semaphore_mem>>
      %dma_start3A_79 = arith.constant 0 : i32
      %dma_start3A_80 = tpu.memref_slice %arg8[%run_scoped3A, %dma_start3A_79] : memref<1x16xi32, #tpu.memory_space<vmem>> -> memref<1x16xi32, #tpu.memory_space<vmem>>
      %dma_start3A_81 = tpu.memref_squeeze %dma_start3A_80 : memref<1x16xi32, #tpu.memory_space<vmem>> -> memref<16xi32, #tpu.memory_space<vmem>>
      %dma_start3A_82 = tpu.memref_slice %arg3[%add3A_70] : memref<320000xi32, #tpu.memory_space<hbm>> -> memref<16xi32, #tpu.memory_space<hbm>>
      %dma_start3A_83 = arith.constant 0 : i32
      %dma_start3A_84 = tpu.memref_slice %arg8[%run_scoped3A, %dma_start3A_83] : memref<1x16xi32, #tpu.memory_space<vmem>> -> memref<1x16xi32, #tpu.memory_space<vmem>>
      %dma_start3A_85 = tpu.memref_squeeze %dma_start3A_84 : memref<1x16xi32, #tpu.memory_space<vmem>> -> memref<16xi32, #tpu.memory_space<vmem>>
      %dma_start3A_86 = tpu.memref_slice %arg3[%add3A_70] : memref<320000xi32, #tpu.memory_space<hbm>> -> memref<16xi32, #tpu.memory_space<hbm>>
      tpu.enqueue_dma source(%dma_start3A_86 : memref<16xi32, #tpu.memory_space<hbm>>) target(%dma_start3A_85 : memref<16xi32, #tpu.memory_space<vmem>>) target_semaphore(%run_scoped3A_78 : memref<!tpu.dma_semaphore, #tpu.memory_space<semaphore_mem>>)
      %dma_wait3A_87 = arith.constant 0 : i32
      %dma_wait3A_88 = tpu.memref_slice %arg8[%run_scoped3A, %dma_wait3A_87] : memref<1x16xi32, #tpu.memory_space<vmem>> -> memref<1x16xi32, #tpu.memory_space<vmem>>
      %dma_wait3A_89 = tpu.memref_squeeze %dma_wait3A_88 : memref<1x16xi32, #tpu.memory_space<vmem>> -> memref<16xi32, #tpu.memory_space<vmem>>
      %dma_wait3A_90 = tpu.memref_slice %arg3[%add3A_70] : memref<320000xi32, #tpu.memory_space<hbm>> -> memref<16xi32, #tpu.memory_space<hbm>>
      %dma_wait3A_91 = arith.constant 0 : i32
      %dma_wait3A_92 = tpu.memref_slice %arg8[%run_scoped3A, %dma_wait3A_91] : memref<1x16xi32, #tpu.memory_space<vmem>> -> memref<1x16xi32, #tpu.memory_space<vmem>>
      %dma_wait3A_93 = tpu.memref_squeeze %dma_wait3A_92 : memref<1x16xi32, #tpu.memory_space<vmem>> -> memref<16xi32, #tpu.memory_space<vmem>>
      %dma_wait3A_94 = tpu.memref_slice %arg3[%add3A_70] : memref<320000xi32, #tpu.memory_space<hbm>> -> memref<16xi32, #tpu.memory_space<hbm>>
      tpu.wait_dma2 semaphore(%run_scoped3A_78 : memref<!tpu.dma_semaphore, #tpu.memory_space<semaphore_mem>>) src(%dma_wait3A_94 : memref<16xi32, #tpu.memory_space<hbm>>) dst(%dma_wait3A_93 : memref<16xi32, #tpu.memory_space<vmem>>)
      tpu.yield
    }) : () -> ()
    "tpu.region"() ({
      %run_scoped3A_78 = tpu.sem_alloc : memref<!tpu.dma_semaphore, #tpu.memory_space<semaphore_mem>>
      %dma_start3A_79 = arith.constant 0 : i32
      %dma_start3A_80 = tpu.memref_slice %arg2[%add3A_70, %dma_start3A_79] : memref<320000x256xf32, #tpu.memory_space<hbm>> -> memref<16x256xf32, #tpu.memory_space<hbm>>
      %dma_start3A_81 = arith.constant 0 : i32
      %dma_start3A_82 = tpu.memref_slice %arg2[%add3A_70, %dma_start3A_81] : memref<320000x256xf32, #tpu.memory_space<hbm>> -> memref<16x256xf32, #tpu.memory_space<hbm>>
      tpu.enqueue_dma source(%dma_start3A_82 : memref<16x256xf32, #tpu.memory_space<hbm>>) target(%arg9 : memref<16x256xf32, #tpu.memory_space<vmem>>) target_semaphore(%run_scoped3A_78 : memref<!tpu.dma_semaphore, #tpu.memory_space<semaphore_mem>>)
      %dma_wait3A_83 = arith.constant 0 : i32
      %dma_wait3A_84 = tpu.memref_slice %arg2[%add3A_70, %dma_wait3A_83] : memref<320000x256xf32, #tpu.memory_space<hbm>> -> memref<16x256xf32, #tpu.memory_space<hbm>>
      %dma_wait3A_85 = arith.constant 0 : i32
      %dma_wait3A_86 = tpu.memref_slice %arg2[%add3A_70, %dma_wait3A_85] : memref<320000x256xf32, #tpu.memory_space<hbm>> -> memref<16x256xf32, #tpu.memory_space<hbm>>
      tpu.wait_dma2 semaphore(%run_scoped3A_78 : memref<!tpu.dma_semaphore, #tpu.memory_space<semaphore_mem>>) src(%dma_wait3A_86 : memref<16x256xf32, #tpu.memory_space<hbm>>) dst(%arg9 : memref<16x256xf32, #tpu.memory_space<vmem>>)
      tpu.yield
    }) : () -> ()
    %run_scoped3A_71 = arith.constant 0 : i32
    "tpu.region"() ({
      %run_scoped3A_78 = tpu.sem_alloc : memref<!tpu.dma_semaphore, #tpu.memory_space<semaphore_mem>>
      %dma_start3A_79 = arith.constant 0 : i32
      %dma_start3A_80 = tpu.memref_slice %arg8[%run_scoped3A_71, %dma_start3A_79] : memref<1x16xi32, #tpu.memory_space<vmem>> -> memref<1x16xi32, #tpu.memory_space<vmem>>
      %dma_start3A_81 = tpu.memref_squeeze %dma_start3A_80 : memref<1x16xi32, #tpu.memory_space<vmem>> -> memref<16xi32, #tpu.memory_space<vmem>>
      %dma_start3A_82 = arith.constant 0 : i32
      %dma_start3A_83 = arith.constant 0 : i32
      %dma_start3A_84 = tpu.memref_slice %arg10[%dma_start3A_82, %dma_start3A_83] : memref<1024x256xf32, #tpu.memory_space<vmem_shared>> -> memref<1024x256xf32, #tpu.memory_space<vmem_shared>>
      tpu.enqueue_indirect_dma source(%arg9 : memref<16x256xf32, #tpu.memory_space<vmem>>) target(%dma_start3A_84 : memref<1024x256xf32, #tpu.memory_space<vmem_shared>>) offsets(%dma_start3A_81 : memref<16xi32, #tpu.memory_space<vmem>>) semaphore(%run_scoped3A_78 : memref<!tpu.dma_semaphore, #tpu.memory_space<semaphore_mem>>) {add = true}
      %dma_wait3A_85 = arith.constant 0 : i32
      %dma_wait3A_86 = tpu.memref_slice %arg8[%run_scoped3A_71, %dma_wait3A_85] : memref<1x16xi32, #tpu.memory_space<vmem>> -> memref<1x16xi32, #tpu.memory_space<vmem>>
      %dma_wait3A_87 = tpu.memref_squeeze %dma_wait3A_86 : memref<1x16xi32, #tpu.memory_space<vmem>> -> memref<16xi32, #tpu.memory_space<vmem>>
      %dma_wait3A_88 = arith.constant 0 : i32
      %dma_wait3A_89 = arith.constant 0 : i32
      %dma_wait3A_90 = tpu.memref_slice %arg10[%dma_wait3A_88, %dma_wait3A_89] : memref<1024x256xf32, #tpu.memory_space<vmem_shared>> -> memref<1024x256xf32, #tpu.memory_space<vmem_shared>>
      tpu.wait_indirect_dma semaphore(%run_scoped3A_78 : memref<!tpu.dma_semaphore, #tpu.memory_space<semaphore_mem>>) src(%arg9 : memref<16x256xf32, #tpu.memory_space<vmem>>) dst(%dma_wait3A_90 : memref<1024x256xf32, #tpu.memory_space<vmem_shared>>)
      tpu.yield
    }) : () -> ()
    %barrier3A_72 = arith.constant 0 : index
    tpu.barrier barrier_id(%barrier3A_72)
    %eq3A_73 = arith.constant 0 : i32
    %eq3A_74 = arith.cmpi eq, %arg1, %eq3A_73 : i32
    %convert_element_type3A_75 = arith.extui %eq3A_74 : i1 to i32
    %cond3A_76 = arith.constant 0 : i32
    %cond3A_77 = arith.cmpi ne, %convert_element_type3A_75, %cond3A_76 : i32
    scf.if %cond3A_77 {
      "tpu.region"() ({
        %run_scoped3A_78 = tpu.sem_alloc : memref<!tpu.dma_semaphore, #tpu.memory_space<semaphore_mem>>
        %dma_start3A_79 = arith.constant 0 : i32
        %dma_start3A_80 = arith.constant 0 : i32
        %dma_start3A_81 = tpu.memref_slice %arg5[%arg0, %dma_start3A_79, %dma_start3A_80] : memref<2x1024x256xf32, #tpu.memory_space<hbm>> -> memref<1x1024x256xf32, #tpu.memory_space<hbm>>
        %dma_start3A_82 = tpu.memref_squeeze %dma_start3A_81 : memref<1x1024x256xf32, #tpu.memory_space<hbm>> -> memref<1024x256xf32, #tpu.memory_space<hbm>>
        tpu.enqueue_dma source(%arg10 : memref<1024x256xf32, #tpu.memory_space<vmem_shared>>) target(%dma_start3A_82 : memref<1024x256xf32, #tpu.memory_space<hbm>>) target_semaphore(%run_scoped3A_78 : memref<!tpu.dma_semaphore, #tpu.memory_space<semaphore_mem>>)
        %dma_wait3A_83 = arith.constant 0 : i32
        %dma_wait3A_84 = arith.constant 0 : i32
        %dma_wait3A_85 = tpu.memref_slice %arg5[%arg0, %dma_wait3A_83, %dma_wait3A_84] : memref<2x1024x256xf32, #tpu.memory_space<hbm>> -> memref<1x1024x256xf32, #tpu.memory_space<hbm>>
        %dma_wait3A_86 = tpu.memref_squeeze %dma_wait3A_85 : memref<1x1024x256xf32, #tpu.memory_space<hbm>> -> memref<1024x256xf32, #tpu.memory_space<hbm>>
        tpu.wait_dma2 semaphore(%run_scoped3A_78 : memref<!tpu.dma_semaphore, #tpu.memory_space<semaphore_mem>>) src(%arg10 : memref<1024x256xf32, #tpu.memory_space<vmem_shared>>) dst(%dma_wait3A_86 : memref<1024x256xf32, #tpu.memory_space<hbm>>)
        tpu.yield
      }) : () -> ()
    } else {
    }
    return
  }
}

module attributes {stable_mosaic.version = 14 : i64} {
  func.func @_tc2_body(%arg0: memref<2x1024x256xf32, #tpu.memory_space<vmem>>, %arg1: memref<1x128xf32, #tpu.memory_space<vmem>>, %arg2: memref<1x128xf32, #tpu.memory_space<vmem>>, %arg3: memref<1024x128xf32, #tpu.memory_space<vmem>>) attributes {dimension_semantics = [], scalar_prefetch = 0 : i64, scratch_operands = 0 : i64, tpu.core_type = #tpu.core_type<tc>} {
    %get3A = arith.constant 0 : index
    %get3A_0 = arith.constant 0 : index
    %get3A_1 = arith.constant 0 : index
    %get3A_2 = vector.load %arg0[%get3A, %get3A_0, %get3A_1] : memref<2x1024x256xf32, #tpu.memory_space<vmem>>, vector<2x1024x256xf32>
    %reduce_sum3A = arith.constant dense<0.000000e+00> : vector<1024x256xf32>
    %reduce_sum3A_3 = vector.multi_reduction <add>, %get3A_2, %reduce_sum3A [0] : vector<2x1024x256xf32> to vector<1024x256xf32>
    %slice3A = vector.extract_strided_slice %reduce_sum3A_3 {offsets = [0, 0], sizes = [1024, 128], strides = [1, 1]} : vector<1024x256xf32> to vector<1024x128xf32>
    %slice3A_4 = vector.extract_strided_slice %reduce_sum3A_3 {offsets = [0, 128], sizes = [1024, 128], strides = [1, 1]} : vector<1024x256xf32> to vector<1024x128xf32>
    %add3A = arith.constant 1.000000e-07 : f32
    %add3A_5 = vector.broadcast %add3A : f32 to vector<1024x128xf32>
    %add3A_6 = arith.addf %slice3A_4, %add3A_5 : vector<1024x128xf32>
    %div3A = arith.divf %slice3A, %add3A_6 : vector<1024x128xf32>
    %reduce_sum3A_7 = arith.constant dense<0.000000e+00> : vector<1024xf32>
    %reduce_sum3A_8 = vector.multi_reduction <add>, %div3A, %reduce_sum3A_7 [1] : vector<1024x128xf32> to vector<1024xf32>
    %broadcast_in_dim3A = vector.shape_cast %reduce_sum3A_8 : vector<1024xf32> to vector<1024x1xf32>
    %div3A_9 = arith.constant 1.280000e+02 : f32
    %div3A_10 = vector.broadcast %div3A_9 : f32 to vector<1024x1xf32>
    %div3A_11 = arith.divf %broadcast_in_dim3A, %div3A_10 : vector<1024x1xf32>
    %sub3A = vector.broadcast %div3A_11 : vector<1024x1xf32> to vector<1024x128xf32>
    %sub3A_12 = arith.subf %div3A, %sub3A : vector<1024x128xf32>
    %integer_pow3A = arith.mulf %sub3A_12, %sub3A_12 : vector<1024x128xf32>
    %reduce_sum3A_13 = arith.constant dense<0.000000e+00> : vector<1024xf32>
    %reduce_sum3A_14 = vector.multi_reduction <add>, %integer_pow3A, %reduce_sum3A_13 [1] : vector<1024x128xf32> to vector<1024xf32>
    %broadcast_in_dim3A_15 = vector.shape_cast %reduce_sum3A_14 : vector<1024xf32> to vector<1024x1xf32>
    %div3A_16 = arith.constant 1.280000e+02 : f32
    %div3A_17 = vector.broadcast %div3A_16 : f32 to vector<1024x1xf32>
    %div3A_18 = arith.divf %broadcast_in_dim3A_15, %div3A_17 : vector<1024x1xf32>
    %sub3A_19 = vector.broadcast %div3A_11 : vector<1024x1xf32> to vector<1024x128xf32>
    %sub3A_20 = arith.subf %div3A, %sub3A_19 : vector<1024x128xf32>
    %add3A_21 = arith.constant 9.99999974E-6 : f32
    %add3A_22 = vector.broadcast %add3A_21 : f32 to vector<1024x1xf32>
    %add3A_23 = arith.addf %div3A_18, %add3A_22 : vector<1024x1xf32>
    %rsqrt3A = math.rsqrt %add3A_23 : vector<1024x1xf32>
    %mul3A = vector.broadcast %rsqrt3A : vector<1024x1xf32> to vector<1024x128xf32>
    %mul3A_24 = arith.mulf %sub3A_20, %mul3A : vector<1024x128xf32>
    %get3A_25 = arith.constant 0 : index
    %get3A_26 = arith.constant 0 : index
    %get3A_27 = vector.load %arg1[%get3A_25, %get3A_26] : memref<1x128xf32, #tpu.memory_space<vmem>>, vector<1x128xf32>
    %mul3A_28 = vector.broadcast %get3A_27 : vector<1x128xf32> to vector<1024x128xf32>
    %mul3A_29 = arith.mulf %mul3A_24, %mul3A_28 : vector<1024x128xf32>
    %get3A_30 = arith.constant 0 : index
    %get3A_31 = arith.constant 0 : index
    %get3A_32 = vector.load %arg2[%get3A_30, %get3A_31] : memref<1x128xf32, #tpu.memory_space<vmem>>, vector<1x128xf32>
    %add3A_33 = vector.broadcast %get3A_32 : vector<1x128xf32> to vector<1024x128xf32>
    %add3A_34 = arith.addf %mul3A_29, %add3A_33 : vector<1024x128xf32>
    %swap3A = arith.constant 0 : index
    %swap3A_35 = arith.constant 0 : index
    %swap3A_36 = vector.load %arg3[%swap3A, %swap3A_35] : memref<1024x128xf32, #tpu.memory_space<vmem>>, vector<1024x128xf32>
    tpu.vector_store %arg3[%swap3A, %swap3A_35], %add3A_34 {strides = array<i32>} : memref<1024x128xf32, #tpu.memory_space<vmem>>, vector<1024x128xf32>,
    return
  }
}

module attributes {stable_mosaic.version = 14 : i64} {
  func.func @_tc1_body(%arg0: i32, %arg1: memref<2000x128xf32, #tpu.memory_space<vmem>>, %arg2: memref<128x128xf32, #tpu.memory_space<vmem>>, %arg3: memref<1x128xf32, #tpu.memory_space<vmem>>, %arg4: memref<128x128xf32, #tpu.memory_space<vmem>>, %arg5: memref<1x128xf32, #tpu.memory_space<vmem>>, %arg6: memref<2000x256xf32, #tpu.memory_space<vmem>>) attributes {dimension_semantics = [#tpu.dimension_semantics<arbitrary>], iteration_bounds = array<i64: 160>, scalar_prefetch = 0 : i64, scratch_operands = 0 : i64, tpu.core_type = #tpu.core_type<tc>, window_params = [{transform_indices = @transform_0, window_bounds = array<i64: 2000, 128>}, {pipeline_mode = #tpu.pipeline_mode<synchronous>, transform_indices = @transform_1, window_bounds = array<i64: 128, 128>}, {pipeline_mode = #tpu.pipeline_mode<synchronous>, transform_indices = @transform_2, window_bounds = array<i64: 1, 128>}, {pipeline_mode = #tpu.pipeline_mode<synchronous>, transform_indices = @transform_3, window_bounds = array<i64: 128, 128>}, {pipeline_mode = #tpu.pipeline_mode<synchronous>, transform_indices = @transform_4, window_bounds = array<i64: 1, 128>}, {transform_indices = @transform_5, window_bounds = array<i64: 2000, 256>}]} {
    %get3A = arith.constant 0 : index
    %get3A_0 = arith.constant 0 : index
    %get3A_1 = vector.load %arg1[%get3A, %get3A_0] : memref<2000x128xf32, #tpu.memory_space<vmem>>, vector<2000x128xf32>
    %get3A_2 = arith.constant 0 : index
    %get3A_3 = arith.constant 0 : index
    %get3A_4 = vector.load %arg2[%get3A_2, %get3A_3] : memref<128x128xf32, #tpu.memory_space<vmem>>, vector<128x128xf32>
    %dot_general3A = arith.constant dense<0.000000e+00> : vector<2000x128xf32>
    %dot_general3A_5 = tpu.matmul %get3A_1, %get3A_4, %dot_general3A {dimension_numbers = #tpu.dot_dimension_numbers<[1], [0], [0], [1], [0, 0, 1, 1], [], []>, transpose_lhs_hint = false} : vector<2000x128xf32>, vector<128x128xf32>, vector<2000x128xf32> -> vector<2000x128xf32>
    %get3A_6 = arith.constant 0 : index
    %get3A_7 = arith.constant 0 : index
    %get3A_8 = vector.load %arg3[%get3A_6, %get3A_7] : memref<1x128xf32, #tpu.memory_space<vmem>>, vector<1x128xf32>
    %add3A = vector.broadcast %get3A_8 : vector<1x128xf32> to vector<2000x128xf32>
    %add3A_9 = arith.addf %dot_general3A_5, %add3A : vector<2000x128xf32>
    %exp3A = math.exp %add3A_9 : vector<2000x128xf32>
    %get3A_10 = arith.constant 0 : index
    %get3A_11 = arith.constant 0 : index
    %get3A_12 = vector.load %arg4[%get3A_10, %get3A_11] : memref<128x128xf32, #tpu.memory_space<vmem>>, vector<128x128xf32>
    %dot_general3A_13 = arith.constant dense<0.000000e+00> : vector<2000x128xf32>
    %dot_general3A_14 = tpu.matmul %get3A_1, %get3A_12, %dot_general3A_13 {dimension_numbers = #tpu.dot_dimension_numbers<[1], [0], [0], [1], [0, 0, 1, 1], [], []>, transpose_lhs_hint = false} : vector<2000x128xf32>, vector<128x128xf32>, vector<2000x128xf32> -> vector<2000x128xf32>
    %get3A_15 = arith.constant 0 : index
    %get3A_16 = arith.constant 0 : index
    %get3A_17 = vector.load %arg5[%get3A_15, %get3A_16] : memref<1x128xf32, #tpu.memory_space<vmem>>, vector<1x128xf32>
    %add3A_18 = vector.broadcast %get3A_17 : vector<1x128xf32> to vector<2000x128xf32>
    %add3A_19 = arith.addf %dot_general3A_14, %add3A_18 : vector<2000x128xf32>
    %mul3A = arith.mulf %exp3A, %add3A_19 : vector<2000x128xf32>
    %swap3A = arith.constant 0 : index
    %swap3A_20 = arith.constant 0 : index
    %swap3A_21 = vector.load %arg6[%swap3A, %swap3A_20] : memref<2000x256xf32, #tpu.memory_space<vmem>>, vector<2000x128xf32>
    tpu.vector_store %arg6[%swap3A, %swap3A_20], %mul3A {strides = array<i32>} : memref<2000x256xf32, #tpu.memory_space<vmem>>, vector<2000x128xf32>,
    %swap3A_22 = arith.constant 0 : index
    %swap3A_23 = arith.constant 128 : index
    %swap3A_24 = vector.load %arg6[%swap3A_22, %swap3A_23] : memref<2000x256xf32, #tpu.memory_space<vmem>>, vector<2000x128xf32>
    tpu.vector_store %arg6[%swap3A_22, %swap3A_23], %exp3A {strides = array<i32>} : memref<2000x256xf32, #tpu.memory_space<vmem>>, vector<2000x128xf32>,
    return
  }
  func.func @transform_0(%arg0: i32) -> (i32, i32) {
    %c0_i32 = arith.constant 0 : i32
    %c0_i32_0 = arith.constant 0 : i32
    return %arg0, %c0_i32 : i32, i32
  }
  func.func @transform_1(%arg0: i32) -> (i32, i32) {
    %c0_i32 = arith.constant 0 : i32
    %c0_i32_0 = arith.constant 0 : i32
    %c0_i32_1 = arith.constant 0 : i32
    return %c0_i32, %c0_i32_0 : i32, i32
  }
  func.func @transform_2(%arg0: i32) -> (i32, i32) {
    %c0_i32 = arith.constant 0 : i32
    %c0_i32_0 = arith.constant 0 : i32
    %c0_i32_1 = arith.constant 0 : i32
    return %c0_i32, %c0_i32_0 : i32, i32
  }
  func.func @transform_3(%arg0: i32) -> (i32, i32) {
    %c0_i32 = arith.constant 0 : i32
    %c0_i32_0 = arith.constant 0 : i32
    %c0_i32_1 = arith.constant 0 : i32
    return %c0_i32, %c0_i32_0 : i32, i32
  }
  func.func @transform_4(%arg0: i32) -> (i32, i32) {
    %c0_i32 = arith.constant 0 : i32
    %c0_i32_0 = arith.constant 0 : i32
    %c0_i32_1 = arith.constant 0 : i32
    return %c0_i32, %c0_i32_0 : i32, i32
  }
  func.func @transform_5(%arg0: i32) -> (i32, i32) {
    %c0_i32 = arith.constant 0 : i32
    %c0_i32_0 = arith.constant 0 : i32
    return %arg0, %c0_i32 : i32, i32
  }
}

</mosaic_0001>

<sc_bundles>
// kernel: kernel.5.cloned.1.call-start
scs
__scs_entry_jumppad:
0x0: {  	(pc) =	sbr.rel $0x88, $3  }
0x1: {  	(tag) =	ssettag $0x0;
	lr =	simm.s32 $0x1  }
0x2: {  	[smem:$0x3F99] =	sst lr;
	_ =	strace $0xD0000000  }
0x3: {  	_ = 	snop  }
0x4: {  	_ = 	snop  }
0x5: {  	_ = 	snop  }
0x6: {  	_ = 	snop  }
0x7: {  	_ = 	snop  }
__scs_overlays_trampoline_lowered:
0x8: {  	[smem:$0x3FA8] =	sst s0  }
0x9: {  	[smem:$0x3FA9] =	sst s1  }
0xa: {  	[smem:$0x3FAA] =	sst s2  }
0xb: {  	[smem:$0x3FAB] =	sst s3  }
0xc: {  	[smem:$0x3FAC] =	sst s4  }
0xd: {  	[smem:$0x3FAD] =	sst s5  }
0xe: {  	[smem:$0x3FAE] =	sst s6  }
0xf: {  	[smem:$0x3FAF] =	sst s7  }
0x10: {  	[smem:$0x3FB0] =	sst s8  }
0x11: {  	[smem:$0x3FB1] =	sst s9;
	s0 =	simm.s32 @!p0 $0x0  }
0x12: {  	s1 =	sld [smem:$0x3F97];
	s0 =	simm.s32 @p0 $0x1  }
0x13: {  	[smem:$0x3FB2] =	sst s0;
	s0 =	simm.s32 @!p1 $0x0  }
0x14: {  	s2 =	sld [smem:$0x3F96];
	s0 =	simm.s32 @p1 $0x1  }
0x15: {  	[smem:$0x3FB3] =	sst s0;
	s0 =	simm.s32 @!p2 $0x0  }
0x16: {  	s3 =	sld [smem:$0x3FDB];
	s0 =	simm.s32 @p2 $0x1  }
0x17: {  	s4 =	simm.s32 $0x1BF5;
	[smem:$0x3FB5] =	sst s0  }
0x18: {  	s0 =	sld [smem:$0x3F98];
	_ =	swait.ge [sflag:s4], $0x0  }
0x19: {  	s7 =	sld [smem:$0x3F99]  }
0x1a: {  	s8 =	sadd.s32 $0xFFFFE003, lr  }
0x1b: {  	s9 =	sadd.s32 $0xFFFFFEF7, lr;
	s5 =	simm.s32 $0xFFFFFFFF;
	p2 =	slt.u32 s8, $0xFFFFF086  }
0x1c: {  	p1 =	slt.u32 s9, $0xF7A;
	s5 =	simm.s32 @!p2 $0x0  }
0x1d: {  	s5 =	simm.s32 @p1 $0x1;
	p0 =	seq.s32 s7, s2  }
0x1e: {  	s7 =	smul.u32 @!p0 $0xF7A, s2;
	p2 =	seq.s32 @!p0 s5, $0x0  }
0x1f: {  	s9 =	smul.u32 $0xF7A, s1;
	s8 =	simm.s32 @!p0 $0x1BF5;
	p2 =	por !p2, p0  }
0x20: {  	[sflag:s8] =	ssyncset.s32 @!p0 $0xFFFFF086;
	s6 =	sadd.s32 @!p0 s3, s7;
	s7 =	simm.s32 @!p0 $0x108  }
0x21: {  	s3 =	sadd.s32 s3, s9;
	s6 =	sadd.s32 @!p0 $0x88, s6;
	s7 =	simm.s32 @p2 $0x1082  }
0x22: {  	[simem:s7], [sflag:s8] =	dma.local @!p0 [hbm:s6], $0xF7A  }
0x23: {  	s9 =	sor.u32 $0xD0000000, s2;
	s6 =	simm.s32 $0x108;
	_ =	swait.ge @!p0 [sflag:s8], $0x0  }
0x24: {  	s3 =	sadd.s32 $0x88, s3;
	s6 =	simm.s32 @!p1 $0x1082;
	[sflag:s4] =	ssyncset.s32 $0xFFFFF086  }
0x25: {  	[simem:s6], [sflag:s4] =	dma.local [hbm:s3], $0xF7A  }
0x26: {  	[smem:$0x3F99] =	sst s1;
	(tag) =	ssettag s2;
	_ =	strace s9  }
0x27: {  	s1 =	sld [smem:$0x3FA9]  }
0x28: {  	s2 =	sld [smem:$0x3FAA]  }
0x29: {  	s4 =	sld [smem:$0x3FAC]  }
0x2a: {  	p0 =	seq.s32 s5, $0x0;
	s5 =	sld [smem:$0x3FAD]  }
0x2b: {  	s6 =	sld [smem:$0x3FAE]  }
0x2c: {  	s7 =	sld [smem:$0x3FAF]  }
0x2d: {  	s3 =	simm.s32 $0x108;
	s8 =	sld [smem:$0x3FB0]  }
0x2e: {  	s3 =	simm.s32 @!p0 $0x1082;
	s9 =	sld [smem:$0x3FB1]  }
0x2f: {  	lr =	sadd.s32 s0, s3;
	s0 =	sld [smem:$0x3FA8]  }
0x30: {  	s3 =	sld [smem:$0x3FAB]  }
0x31: {  	[smem:$0x3FB4] =	sst s10  }
0x32: {  	s10 =	sld [smem:$0x3FB2];
	_ =	sdelay $0x3  }
0x33: {  	p0 =	seq.s32 s10, $0x1;
	s10 =	sld [smem:$0x3FB4];
	_ =	sdelay $0x3  }
0x34: {  	[smem:$0x3FB4] =	sst s10  }
0x35: {  	s10 =	sld [smem:$0x3FB3];
	_ =	sdelay $0x3  }
0x36: {  	p1 =	seq.s32 s10, $0x1;
	s10 =	sld [smem:$0x3FB4];
	_ =	sdelay $0x3  }
0x37: {  	[smem:$0x3FB4] =	sst s10  }
0x38: {  	s10 =	sld [smem:$0x3FB5]  }
0x39: {  	_ = 	snop;
	(pc) =	sbr.ind lr, $3  }
0x3a: {  	_ = 	snop  }
0x3b: {  	_ = 	snop  }
0x3c: {  	p2 =	seq.s32 s10, $0x1;
	s10 =	sld [smem:$0x3FB4]  }
0x3d: {  	_ =	shalt  }
0x3e: {  	_ =	shalt  }
0x3f: {  	_ =	shalt  }
0x40: {  	_ =	shalt  }
0x41: {  	_ =	shalt  }
0x42: {  	_ =	shalt  }
0x43: {  	_ =	shalt  }
0x44: {  	_ =	shalt  }
0x45: {  	_ =	shalt  }
0x46: {  	_ =	shalt  }
0x47: {  	_ =	shalt  }
0x48: {  	_ =	shalt  }
0x49: {  	_ =	shalt  }
0x4a: {  	_ =	shalt  }
0x4b: {  	_ =	shalt  }
0x4c: {  	_ =	shalt  }
0x4d: {  	_ =	shalt  }
0x4e: {  	_ =	shalt  }
0x4f: {  	_ =	shalt  }
0x50: {  	_ =	shalt  }
0x51: {  	_ =	shalt  }
0x52: {  	_ =	shalt  }
0x53: {  	_ =	shalt  }
0x54: {  	_ =	shalt  }
0x55: {  	_ =	shalt  }
0x56: {  	_ =	shalt  }
0x57: {  	_ =	shalt  }
0x58: {  	_ =	shalt  }
0x59: {  	_ =	shalt  }
0x5a: {  	_ =	shalt  }
0x5b: {  	_ =	shalt  }
0x5c: {  	_ =	shalt  }
0x5d: {  	_ =	shalt  }
0x5e: {  	_ =	shalt  }
0x5f: {  	_ =	shalt  }
0x60: {  	_ =	shalt  }
0x61: {  	_ =	shalt  }
0x62: {  	_ =	shalt  }
0x63: {  	_ =	shalt  }
0x64: {  	_ =	shalt  }
0x65: {  	_ =	shalt  }
0x66: {  	_ =	shalt  }
0x67: {  	_ =	shalt  }
0x68: {  	_ =	shalt  }
0x69: {  	_ =	shalt  }
0x6a: {  	_ =	shalt  }
0x6b: {  	_ =	shalt  }
0x6c: {  	_ =	shalt  }
0x6d: {  	_ =	shalt  }
0x6e: {  	_ =	shalt  }
0x6f: {  	_ =	shalt  }
0x70: {  	_ =	shalt  }
0x71: {  	_ =	shalt  }
0x72: {  	_ =	shalt  }
0x73: {  	_ =	shalt  }
0x74: {  	_ =	shalt  }
0x75: {  	_ =	shalt  }
0x76: {  	_ =	shalt  }
0x77: {  	_ =	shalt  }
0x78: {  	_ =	shalt  }
0x79: {  	_ =	shalt  }
0x7a: {  	_ =	shalt  }
0x7b: {  	_ =	shalt  }
0x7c: {  	_ =	shalt  }
0x7d: {  	_ =	shalt  }
0x7e: {  	_ =	shalt  }
0x7f: {  	_ =	shalt  }
0x80: {  	_ =	shalt  }
0x81: {  	_ =	shalt  }
0x82: {  	_ =	shalt  }
0x83: {  	_ =	shalt  }
0x84: {  	_ =	shalt  }
0x85: {  	_ =	shalt  }
0x86: {  	_ =	shalt  }
0x87: {  	_ =	shalt  }
.Lfunc_end0:
.L_simem_size_0:
called_computation.1_lowered:
.L_overlay_start_0:
0x88: {  	s2 =	sld [smem:$0x3FD9]  }
0x89: {  	s3 =	sld [smem:$0x3FFE];
	_ =	sdelay $0x1  }
0x8a: {  	s1 =	srdreg.scid  }
0x8b: {  	s0 =	sand.u32 $0x1, s1  }
0x8c: {  	s17 =	sshll.u32 s0, $0xA;
	s2 =	sadd.s32 s3, s2  }
0x8d: {  	s2 =	sadd.s32 s2, s17  }
0x8e: {  	[smem:$0x3FC0] =	sst s2  }
0x8f: {  	_ = 	snop  }
0x90: {  	s2 =	sld [smem:$0x3FC8];
	(tm) =	ssettm $0x1  }
0x91: {  	s18 =	sld [smem:$0x3FFB];
	_ =	sdelay $0x3  }
0x92: {  	_ =	strace s18  }
0x93: {  	s3 =	sld [smem:$0x3FFC];
	_ =	sdelay $0x3  }
0x94: {  	_ =	strace s3  }
0x95: {  	s3 =	sld [smem:$0x3FFD];
	_ =	sdelay $0x3  }
0x96: {  	_ =	strace s3  }
0x97: {  	_ =	strace $0x8FFFFFFF  }
0x98: {  	s19 =	sld [smem:$0x3FDB];
	_ =	sdelay $0x1  }
0x99: {  	s4 =	simm.s32 $_scs_section_size  }
0x9a: {  	s5 =	simm.s32 $_size__tile_overlayer_lowered;
	s6 =	simm.s32 $_tile_overlayer_lowered  }
0x9b: {  	s22 =	simm.s32 $0x1BFF;
	s21 =	sshll.u32 s6, $0x1;
	s3 =	sadd.s32 s4, s19  }
0x9c: {  	s7 =	simm.s32 $0x0;
	s20 =	sshll.u32 s5, $0x1;
	s5 =	sadd.s32 s21, s3  }
0x9d: {  	[timem:s7], [sflag:s22] =	dma.local [hbm:s5], s20  }
0x9e: {  	_ =	swait.ge [sflag:s22], s20  }
0x9f: {  	s4 =	ssub.s32 $0x0, s20;
	[sflag:s22] =	ssyncset.done $0x0  }
0xa0: {  	[sflag:s22] =	ssyncadd.s32 s4;
	_ =	sdelay $0x1  }
0xa1: {  	s23 =	simm.s32 $0x1B8B  }
0xa2: {  	_ =	swait.ge [sflag:s23], $0x1  }
0xa3: {  	[sflag:s23] =	ssyncset.done $0x0  }
0xa4: {  	s25 =	simm.s32 $0x1B8E;
	s24 =	sld [smem:$0x3FFE];
	[sflag:s23] =	ssyncadd.s32 $0xFFFFFFFF  }
0xa5: {  	s26 =	simm.s32 $execute0_lowered;
	[smem:$0x3FD2] =	sst s25  }
0xa6: {  	s5 =	sshll.u32 s26, $0x1;
	_ =	strace $0x80000049;
	[dreg:$0x1] =	wrdreg $0xFFFFFFFF  }
0xa7: {  	s28 =	simm.s32 $_size_execute0_lowered;
	s3 =	sadd.s32 s3, s5;
	[dreg:$0x0] =	wrdreg $0x0  }
0xa8: {  	s5 =	sshll.u32 s28, $0x1;
	[dreg:$0x2] =	wrdreg s3  }
0xa9: {  	[dreg:$0x3] =	wrdreg s5  }
0xaa: {  	[dreg:$0x4] =	wrdreg $0xC0  }
0xab: {  	_ =	task [dreg:s7], $0x5FFFF  }
0xac: {  	[dreg:$0x1] =	wrdreg $0xFFFFFFFF  }
0xad: {  	[dreg:$0x0] =	wrdreg $0x60  }
0xae: {  	[dreg:$0x2] =	wrdreg s24  }
0xaf: {  	[dreg:$0x3] =	wrdreg s2  }
0xb0: {  	[dreg:$0x4] =	wrdreg $0x111100  }
0xb1: {  	[dreg:$0x5] =	wrdreg $0x9  }
0xb2: {  	_ =	task.clear_ibuf [dreg:s7], $0x6FFFF;
	_ =	strace $0x90000049  }
0xb3: {  	s29 =	simm.s32 $0x9;
	_ =	strace $0x8000004B  }
0xb4: {  	_ =	swait.ge [sflag:s29], $0x1  }
0xb5: {  	[sflag:s29] =	ssyncadd.s32 $0xFFFFFFFF  }
0xb6: {  	_ =	strace $0x9000004B  }
0xb7: {  	_ =	sfence  }
0xb8: {  	s30 =	sld [smem:$0x0];
	_ =	sdelay $0x2  }
0xb9: {  	s31 =	sshll.u32 s1, $0xD;
	s1 =	sshrl.u32 s1, $0x2  }
0xba: {  	s3 =	sand.u32 $0x4000, s31;
	s1 =	sadd.s32 s1, s30  }
0xbb: {  	s0 =	sor.u32 s3, s0;
	s1 =	sshll.u32 s1, $0x11  }
0xbc: {  	s0 =	sor.u32 s1, s0  }
0xbd: {  	s0 =	sadd.s32 $0x8F2B, s0  }
0xbe: {  	[sflag:s0] =	ssyncadd.remote.s32 $0x1  }
0xbf: {  	_ =	sfence.sel $0xFFFF  }
0xc0: {  	[dreg:$0x0] =	wrdreg $0xFFFFFFFF;
	(pc) =	sbr.abs _section_cstart, $3  }
0xc1: {  	[dreg:$0x1] =	wrdreg $0xFFFFFFFF  }
0xc2: {  	_ =	task.clear_ibuf [dreg:s7], $0x2FFFF;
	_ =	strace $0x9FFFFFFF  }
0xc3: {  	(tm) =	ssettm $0x7FFFFFFF  }
tec
execute0_lowered:
.L_overlay_start_1:
0x0: {  	(tag) =	ssettag $0x1  }
0x1: {  	s5 =	rddreg [dreg:$0x0]  }
0x2: {  	s1 =	rddreg [dreg:$0x1]  }
0x3: {  	s2 =	rddreg [dreg:$0x2]  }
0x4: {  	s0 =	rddreg [dreg:$0x3]  }
0x5: {  	s3 =	simm.s32 $0x0;
	s4 =	srdreg.scid;
	s11 =	stileid.u32  }
0x6: {  	s16 =	simm.s32 $0x5;
	s17 =	simm.s32 $0x6;
	s18 =	simm.s32 $0x10100  }
0x7: {  	s19 =	simm.s32 $0x7;
	s20 =	simm.s32 $0x10110;
	s21 =	simm.s32 $0x10  }
0x8: {  	s22 =	simm.s32 $0x0;
	[smem:$0x7FF] =	sst s3;
	s6 =	sand.u32 $0x1, s4  }
0x9: {  	s24 =	sshll.u32 s11, $0x1;
	s12 =	sadd.s32 $0x9C5400, s5;
	s4 =	sadd.s32 $0x1400, s5  }
0xa: {  	s26 =	smul.u32 $0x4E20, s11;
	p0 =	sne.s32 s11, $0x0;
	_ =	strace $0x8000004A  }
0xb: {  	s7 =	sor.u32 s6, s24;
	s10 =	ssub.s32 $0x2, s6;
	s29 =	smul.u32 $0x2710, s6  }
0xc: {  	s9 =	sshll.u32 s6, $0xF;
	s8 =	smul.u32 $0x2710, s7;
	s25 =	sshrl.u32 s10, $0x1  }
0xd: {  	s7 =	smul.u32 $0x4E200, s7;
	s13 =	sadd.s32 s9, s5;
	s14 =	ssub.s32 s10, s25  }
0xe: {  	s9 =	sadd.s32 s29, s26;
	s10 =	sadd.s32 $0x9400, s13;
	s13 =	sshrl.u32 @!p0 s2, $0x3  }
.Ltmp0:
0xf: {  	s28 =	sshrl.u32 s8, $0x3;
	s6 =	sadd.s32 s12, s7;
	(pc) =	sbr.rel .LBB2_1-.Ltmp0, $4  }
0x10: {  	s30 =	sadd.s32 $0x2700, s8;
	s9 =	sadd.s32 $0x80, s9;
	s11 =	smax.u32 s14, $0x1  }
0x11: {  	s14 =	simm.s32 $0x100;
	s5 =	sadd.s32 s1, s28;
	s8 =	sshrl.u32 s30, $0x3  }
0x12: {  	s15 =	sshll.u32 s30, $0x5;
	s31 =	sshll.u32 s9, $0x5;
	s7 =	sadd.s32 s1, s8  }
0x13: {  	s8 =	sadd.s32 s12, s15;
	s12 =	sadd.s32 s31, s12;
	s15 =	simm.s32 $0x80  }
.LBB2_7:
0x14: {  	_ =	swait.ge [sflag:s16], $0x8000  }
0x15: {  	[sflag:s16] =	ssyncset.done $0x0  }
0x16: {  	[sflag:s16] =	ssyncadd.s32 $0xFFFF8000  }
0x17: {  	_ =	swait.ge [sflag:s17], $0x8000  }
0x18: {  	[sflag:s17] =	ssyncset.done $0x0  }
0x19: {  	[sflag:s17] =	ssyncadd.s32 $0xFFFF8000  }
0x1a: {  	[tilespmem:s18], [sflag:$0x7] =	stream.linear.gather [hbm4b:s7+s3], $0x10, $0x38;
	[tilespmem:$0x15110] =	vst v63  }
0x1b: {  	_ =	swait.ge [sflag:s19], $0x10  }
0x1c: {  	[sflag:s19] =	ssyncset.done $0x0  }
0x1d: {  	[sflag:s19] =	ssyncadd.s32 $0xFFFFFFF0  }
0x1e: {  	[tilespmem:s20], [sflag:$0x7] =	stream.linear.gather [hbm4b:s8+s3], $0x1000, $0x38;
	[tilespmem:$0x15110] =	vst v63  }
0x1f: {  	_ =	swait.ge [sflag:s19], $0x1000  }
0x20: {  	[sflag:s19] =	ssyncset.done $0x0  }
0x21: {  	[sflag:s19] =	ssyncadd.s32 $0xFFFFF000  }
0x22: {  	[spmem:s2] =	stream.indirect.scatter.add.f32 [tilespmem:s20], [sflag:$0x7], $0x100, s18, s21, $0xb8;
	[tilespmem:$0x15110] =	vst v63  }
0x23: {  	_ =	swait.ge [sflag:s19], $0x1000  }
0x24: {  	[sflag:s19] =	ssyncset.done $0x0  }
0x25: {  	s22 =	sadd.s32 $0x1, s22;
	[sflag:s19] =	ssyncadd.s32 $0xFFFFF000  }
0x26: {  	s23 =	simm.s32 @!p0 $0x1C07;
	p1 =	sne.s32 s22, s11;
	[bflag:$0x0] =	sbarrier.arrive $0xFFFF  }
0x27: {  	[hbm:s10], [sflag:s23] =	dma.local @!p0 [spmem:s13], $0x8000  }
.Ltmp1:
0x28: {  	_ = 	snop;
	(pc) =	sbr.rel @!p1 .LBB2_8-.Ltmp1, $4  }
0x29: {  	s23 =	simm.s32 @!p0 $0x7  }
0x2a: {  	_ =	swait.ge @!p0 [sflag:s23], $0x8000  }
0x2b: {  	[sflag:s23] =	ssyncset.done @!p0 $0x0  }
0x2c: {  	[sflag:s23] =	ssyncadd.s32 @!p0 $0xFFFF8000  }
.LBB2_1:
0x2d: {  	s23 =	simm.s32 @!p0 $0x1C07  }
0x2e: {  	[spmem:s13], [sflag:s23] =	dma.local @!p0 [hbm:s4], $0x8000  }
0x2f: {  	s23 =	simm.s32 @!p0 $0x7  }
0x30: {  	_ =	swait.ge @!p0 [sflag:s23], $0x8000  }
0x31: {  	[sflag:s23] =	ssyncset.done @!p0 $0x0  }
.Ltmp2:
0x32: {  	[sflag:s23] =	ssyncadd.s32 @!p0 $0xFFFF8000;
	(pc) =	sbr.rel .LBB2_2-.Ltmp2, $4  }
0x33: {  	[bflag:$0x0] =	sbarrier.arrive $0xFFFF  }
0x34: {  	[tilespmem:s3], [sflag:$0x1] =	stream.linear.gather [hbm4b:s5+s3], $0x80, $0x38;
	[tilespmem:$0x15110] =	vst v63  }
0x35: {  	s24 =	smov.u32 s9;
	s25 =	smov.u32 s12;
	s23 =	simm.s32 $0x1  }
0x36: {  	[tilespmem:s14], [sflag:$0x3] =	stream.linear.gather [hbm4b:s6+s3], $0x8000, $0x38;
	[tilespmem:$0x15110] =	vst v63  }
.LBB2_5:
0x37: {  	s29 =	sshrl.u32 s24, $0x3  }
0x38: {  	s30 =	sshll.u32 s28, $0x7;
	s31 =	sadd.s32 $0x1, s28;
	s29 =	sadd.s32 s1, s29  }
0x39: {  	[tilespmem:s30], [sflag:s31] =	stream.linear.gather [hbm4b:s29+s3], $0x80, $0x38;
	[tilespmem:$0x15110] =	vst v63  }
0x3a: {  	s30 =	sshll.u32 s28, $0xF  }
0x3b: {  	s31 =	sadd.s32 $0x3, s28;
	s29 =	sor.u32 $0x100, s30  }
0x3c: {  	[tilespmem:s29], [sflag:s31] =	stream.linear.gather [hbm4b:s25+s3], $0x8000, $0x38;
	[tilespmem:$0x15110] =	vst v63  }
.LBB2_6:
0x3d: {  	s26 =	sand.u32 $0x1, s26  }
0x3e: {  	s28 =	sadd.s32 $0x1, s26  }
0x3f: {  	s23 =	sadd.s32 $0x1, s23;
	_ =	swait.ge [sflag:s28], $0x80  }
0x40: {  	p1 =	sne.s32 s23, $0x4F;
	[sflag:s28] =	ssyncset.done $0x0  }
.Ltmp3:
0x41: {  	s31 =	sadd.s32 $0x3, s26;
	[sflag:s28] =	ssyncadd.s32 $0xFFFFFF80;
	(pc) =	sbr.rel @!p1 .LBB2_7-.Ltmp3, $4  }
0x42: {  	s25 =	sadd.s32 $0x1000, s25;
	s24 =	sadd.s32 $0x80, s24;
	_ =	swait.ge [sflag:s31], $0x8000  }
0x43: {  	s29 =	sshll.u32 s26, $0x7;
	s30 =	sshll.u32 s26, $0xF;
	[sflag:s31] =	ssyncset.done $0x0  }
0x44: {  	s26 =	sadd.s32 $0x5, s26;
	s30 =	sor.u32 $0x100, s30;
	[sflag:s31] =	ssyncadd.s32 $0xFFFF8000  }
0x45: {  	[spmem:s2] =	stream.indirect.scatter.add.f32 [tilespmem:s30], [sflag:s26], $0x100, s29, s15, $0xb8;
	[tilespmem:$0x15110] =	vst v63  }
.LBB2_2:
0x46: {  	s26 =	sadd.s32 $0xFFFFFFFF, s23  }
0x47: {  	p1 =	seq.s32 s26, $0x0  }
.Ltmp4:
0x48: {  	_ = 	snop;
	(pc) =	sbr.rel @p1 .LBB2_5-.Ltmp4, $2  }
0x49: {  	_ =	sdelay $0x2  }
0x4a: {  	s28 =	sand.u32 $0x1, s23  }
0x4b: {  	p1 =	seq.s32 s26, $0x4D  }
.Ltmp5:
0x4c: {  	_ = 	snop;
	(pc) =	sbr.rel @p1 .LBB2_6-.Ltmp5, $1  }
0x4d: {  	_ =	sdelay $0x3  }
.Ltmp6:
0x4e: {  	(pc) =	sbr.rel .LBB2_5-.Ltmp6, $4  }
0x4f: {  	s29 =	sadd.s32 $0x5, s28  }
0x50: {  	_ =	swait.ge [sflag:s29], $0x8000  }
0x51: {  	[sflag:s29] =	ssyncset.done $0x0  }
0x52: {  	[sflag:s29] =	ssyncadd.s32 $0xFFFF8000  }
.LBB2_8:
0x53: {  	_ =	sfence.sel $0x180000  }
0x54: {  	[bflag:$0x0] =	sbarrier.arrive $0xFFFF  }
0x55: {  	_ =	strace $0x9000004A  }
0x56: {  	s0 =	sadd.s32 @!p0 $0x100000, s0;
	[bflag:$0x2] =	sbarrier.arrive $0xFFFF  }
0x57: {  	[sflag:s0] =	ssyncadd.tile.s32 @!p0 $0x1;
	_ =	shalt  }
.Lfunc_end2:
_tile_overlayer_lowered:
.L_overlay_start_2:
0x58: {  	(tag) =	ssettag $0x2  }
0x59: {  	s0 =	rddreg [dreg:$0x0];
	s2 =	stileid.u32  }
0x5a: {  	s1 =	rddreg [dreg:$0x1];
	p0 =	sne.s32 s2, $0x0  }
0x5b: {  	s3 =	rddreg [dreg:$0x2];
	[bflag:$0x3] =	sbarrier.arrive $0xFFFF;
	s2 =	simm.s32 @!p0 $0x1C07  }
0x5c: {  	[timem:s3], [sflag:s2] =	dma.local @!p0 [hbm:s0], s1  }
0x5d: {  	s0 =	simm.s32 @!p0 $0x7  }
0x5e: {  	_ =	swait.ge @!p0 [sflag:s0], s1  }
0x5f: {  	s1 =	ssub.s32 @!p0 $0x0, s1;
	[sflag:s0] =	ssyncset.done @!p0 $0x0  }
0x60: {  	[sflag:s0] =	ssyncadd.s32 @!p0 s1  }
0x61: {  	[bflag:$0x3] =	sbarrier.arrive $0xFFFF  }
0x62: {  	_ =	shalt  }

// kernel: sparse-core-data-format-call.cloned.1.call-start
scs
called_computation_lowered:
.L_overlay_start_0:
0x0: {  	s1 =	sld [smem:$0x3FD9]  }
0x1: {  	s2 =	sld [smem:$0x3FFE];
	_ =	sdelay $0x1  }
0x2: {  	s3 =	srdreg.scid  }
0x3: {  	s0 =	sand.u32 $0x1, s3  }
0x4: {  	s17 =	sshll.u32 s0, $0xA;
	s1 =	sadd.s32 s2, s1  }
0x5: {  	s1 =	sadd.s32 s1, s17  }
0x6: {  	[smem:$0x3FC0] =	sst s1  }
0x7: {  	_ = 	snop  }
0x8: {  	(tm) =	ssettm $0x1  }
0x9: {  	s18 =	sld [smem:$0x3FFB];
	_ =	sdelay $0x3  }
0xa: {  	_ =	strace s18  }
0xb: {  	s1 =	sld [smem:$0x3FFC];
	_ =	sdelay $0x3  }
0xc: {  	_ =	strace s1  }
0xd: {  	s1 =	sld [smem:$0x3FFD];
	_ =	sdelay $0x3  }
0xe: {  	_ =	strace s1  }
0xf: {  	_ =	strace $0x8FFFFFFF  }
0x10: {  	s19 =	sld [smem:$0x3FDB];
	_ =	sdelay $0x1  }
0x11: {  	s20 =	simm.s32 $_scs_section_size  }
0x12: {  	s4 =	simm.s32 $_size__tile_overlayer_lowered;
	s5 =	simm.s32 $_tile_overlayer_lowered  }
0x13: {  	s23 =	simm.s32 $0x1BFF;
	s22 =	sshll.u32 s5, $0x1;
	s1 =	sadd.s32 s20, s19  }
0x14: {  	s6 =	simm.s32 $0x0;
	s21 =	sshll.u32 s4, $0x1;
	s4 =	sadd.s32 s22, s1  }
0x15: {  	[timem:s6], [sflag:s23] =	dma.local [hbm:s4], s21  }
0x16: {  	_ =	swait.ge [sflag:s23], s21  }
0x17: {  	s2 =	ssub.s32 $0x0, s21;
	[sflag:s23] =	ssyncset.done $0x0  }
0x18: {  	[sflag:s23] =	ssyncadd.s32 s2;
	_ =	sdelay $0x1  }
0x19: {  	s24 =	simm.s32 $0x1B8B  }
0x1a: {  	_ =	swait.ge [sflag:s24], $0x1  }
0x1b: {  	[sflag:s24] =	ssyncset.done $0x0  }
0x1c: {  	s26 =	simm.s32 $0x1B8E;
	s25 =	sld [smem:$0x3FFE];
	[sflag:s24] =	ssyncadd.s32 $0xFFFFFFFF  }
0x1d: {  	s27 =	simm.s32 $execute0_lowered;
	[smem:$0x3FD2] =	sst s26  }
0x1e: {  	s4 =	sshll.u32 s27, $0x1;
	_ =	strace $0x80000046;
	[dreg:$0x1] =	wrdreg $0xFFFFFFFF  }
0x1f: {  	s28 =	simm.s32 $_size_execute0_lowered;
	s1 =	sadd.s32 s1, s4;
	[dreg:$0x0] =	wrdreg $0x0  }
0x20: {  	s4 =	sshll.u32 s28, $0x1;
	[dreg:$0x2] =	wrdreg s1  }
0x21: {  	[dreg:$0x3] =	wrdreg s4  }
0x22: {  	[dreg:$0x4] =	wrdreg $0xC0  }
0x23: {  	_ =	task [dreg:s6], $0x5FFFF  }
0x24: {  	[dreg:$0x1] =	wrdreg $0xFFFFFFFF  }
0x25: {  	[dreg:$0x0] =	wrdreg $0x60  }
0x26: {  	[dreg:$0x2] =	wrdreg s25  }
0x27: {  	[dreg:$0x3] =	wrdreg $0x9  }
0x28: {  	_ =	task.clear_ibuf [dreg:s6], $0x4FFFF;
	_ =	strace $0x90000046  }
0x29: {  	s29 =	simm.s32 $0x9;
	_ =	strace $0x80000048  }
0x2a: {  	_ =	swait.ge [sflag:s29], $0x1  }
0x2b: {  	[sflag:s29] =	ssyncadd.s32 $0xFFFFFFFF  }
0x2c: {  	_ =	strace $0x90000048  }
0x2d: {  	_ =	sfence  }
0x2e: {  	s30 =	sld [smem:$0x0];
	_ =	sdelay $0x2  }
0x2f: {  	s31 =	sshll.u32 s3, $0xD;
	s3 =	sshrl.u32 s3, $0x2  }
0x30: {  	s2 =	sand.u32 $0x4000, s31;
	s1 =	sadd.s32 s3, s30  }
0x31: {  	s0 =	sor.u32 s2, s0;
	s1 =	sshll.u32 s1, $0x11  }
0x32: {  	s0 =	sor.u32 s1, s0  }
0x33: {  	s0 =	sadd.s32 $0x8F2B, s0  }
0x34: {  	[sflag:s0] =	ssyncadd.remote.s32 $0x1  }
0x35: {  	_ =	sfence.sel $0xFFFF  }
0x36: {  	[dreg:$0x0] =	wrdreg $0xFFFFFFFF;
	(pc) =	sbr.abs _section_cstart, $3  }
0x37: {  	[dreg:$0x1] =	wrdreg $0xFFFFFFFF  }
0x38: {  	_ =	task.clear_ibuf [dreg:s6], $0x2FFFF;
	_ =	strace $0x9FFFFFFF  }
0x39: {  	(tm) =	ssettm $0x7FFFFFFF  }
tec
execute0_lowered:
.L_overlay_start_1:
0x0: {  	(tag) =	ssettag $0x1  }
0x1: {  	s0 =	srdreg.scid  }
0x2: {  	s1 =	sshll.u32 s0, $0x4  }
0x3: {  	s4 =	rddreg [dreg:$0x0];
	s0 =	stileid.u32;
	s1 =	sand.u32 $0x10, s1  }
0x4: {  	s7 =	simm.s32 $0x1;
	s8 =	simm.s32 $0x2;
	s1 =	sor.u32 s0, s1  }
0x5: {  	s9 =	simm.s32 $0x0;
	s12 =	simm.s32 $0x0;
	s2 =	sshll.u32 s1, $0x3  }
0x6: {  	s11 =	simm.s32 $0x0;
	s3 =	sadd.s32 $0x1400, s4;
	s6 =	ssub.s32 $0x9C40, s2  }
.Ltmp0:
0x7: {  	s4 =	sadd.s32 $0x9C5400, s4;
	s5 =	sand.u32 $0xF8, s6;
	(pc) =	sbr.rel .LBB1_1-.Ltmp0, $4  }
0x8: {  	s1 =	rddreg [dreg:$0x1];
	_ =	strace $0x80000047;
	p0 =	sne.s32 s5, $0x0  }
0x9: {  	s6 =	sshrl.u32 s6, $0x8;
	s5 =	simm.s32 $0x1;
	s7 =	simm.s32 @!p0 $0x0  }
0xa: {  	s10 =	smov.u32 s2;
	[sflag:s5] =	ssyncpa.u1 $0x0;
	s6 =	sadd.s32 s7, s6  }
0xb: {  	[sflag:s8] =	ssyncpa.u1 $0x0;
	s8 =	simm.s32 $0x0;
	s7 =	sadd.s32 $0x1, s6  }
.LBB1_9:
0xc: {  	s14 =	sadd.s32 $0x100, s10  }
0xd: {  	p1 =	sgt.s32 s14, $0x9C3F  }
0xe: {  	s14 =	smov.u32 @p1 s2;
	p1 =	sne.s32 s11, s7  }
.Ltmp1:
0xf: {  	p0 =	slt.u32 s11, $0x2;
	(pc) =	sbr.rel @!p1 .LBB1_10-.Ltmp1, $4  }
0x10: {  	s13 =	simm.s32 @!p0 $0x2  }
0x11: {  	s15 =	sadd.s32 $0x1, s11;
	_ =	swait.ge @!p0 [sflag:s13], $0x4000  }
0x12: {  	s12 =	smov.u32 s10;
	s9 =	sadd.s32 $0x4000, s9;
	[sflag:s13] =	ssyncset.done @!p0 $0x0  }
0x13: {  	s11 =	smov.u32 s15;
	s10 =	smov.u32 s14;
	[sflag:s13] =	ssyncadd.s32 @!p0 $0xFFFFC000  }
.LBB1_1:
0x14: {  	p0 =	sge.u32 s11, s6  }
0x15: {  	s13 =	sxor.u32 @!p0 $0xFFFFFFFF, s11  }
0x16: {  	s31 =	sadd.s32 $0xFFFFFFFF, s11;
	s14 =	sshll.u32 @!p0 s10, $0x8;
	s13 =	sshll.u32 @!p0 s13, $0xE  }
0x17: {  	s15 =	simm.s32 @!p0 $0x0;
	s14 =	sadd.s32 @!p0 s3, s14;
	s13 =	sand.u32 @!p0 $0x4000, s13  }
0x18: {  	[tilespmem:s13], [sflag:$0x1] =	stream.linear.gather @!p0 [hbm4b:s14+s15], $0x4000, $0x38;
	[tilespmem:$0x10000] =	vst v63  }
0x19: {  	p0 =	sge.u32 s31, s6  }
.Ltmp2:
0x1a: {  	_ = 	snop;
	(pc) =	sbr.rel @p0 .LBB1_9-.Ltmp2, $1  }
0x1b: {  	_ =	sdelay $0x3  }
0x1c: {  	s13 =	sshll.u32 s9, $0x2;
	_ =	swait.ge [sflag:s5], $0x4000;
	s14 =	sshll.u32 s11, $0xE  }
0x1d: {  	s16 =	simm.s32 $0x0;
	s17 =	simm.s32 $0x0;
	s15 =	sand.u32 $0x10000, s13  }
0x1e: {  	[sflag:s5] =	ssyncset.done $0x0;
	s31 =	sand.u32 $0x4000, s14;
	s14 =	sshrl.u32 s15, $0x2  }
0x1f: {  	[sflag:s5] =	ssyncadd.s32 $0xFFFFC000;
	s13 =	sor.u32 $0x8000, s31;
	s15 =	sor.u32 $0x8000, s14  }
.LBB1_3:
0x20: {  	s18 =	sshra.s32 s16, $0x2  }
0x21: {  	v0 =	vmov s18;
	_ =	sdelay $0x3  }
0x22: {  	p1 =	por $0x1, $0x1;
	s18 =	simm.s32 $0x0  }
.LBB1_4:
0x23: {  	_ = 	snop  }
0x24: {  	s19 =	sshll.u32 s18, $0xA  }
0x25: {  	s19 =	sand.u32 $0x3FFFFC00, s19  }
0x26: {  	s19 =	sadd.s32 s19, s14  }
0x27: {  	v5 =	vld.idx.msk [tilespmem:v0+s19+$0x70 ss:$0x1], $0xffff  }
0x28: {  	v6 =	vld.idx.msk [tilespmem:v0+s19+$0x10 ss:$0x1], $0xffff  }
0x29: {  	v7 =	vld.idx.msk [tilespmem:v0+s19+$0x20 ss:$0x1], $0xffff  }
0x2a: {  	s31 =	sshll.u32 s18, $0x7;
	v1 =	vld.idx.msk [tilespmem:v0+s19+$0x30 ss:$0x1], $0xffff  }
0x2b: {  	s18 =	sand.u32 $0x3FFFFF80, s31;
	v2 =	vld.idx.msk [tilespmem:v0+s19+$0x40 ss:$0x1], $0xffff  }
0x2c: {  	s18 =	sadd.s32 s18, s15;
	v3 =	vld.idx.msk [tilespmem:v0+s19+$0x50 ss:$0x1], $0xffff  }
0x2d: {  	v4 =	vld.idx.msk [tilespmem:v0+s19+$0x60 ss:$0x1], $0xffff;
	[tilespmem:v0+s18+$0x70 ss:$0x1] =	vst.idx.msk $0xffff, v5  }
0x2e: {  	v5 =	vld.idx.msk [tilespmem:v0+s19+$0x0 ss:$0x1], $0xffff;
	[tilespmem:v0+s18+$0x10 ss:$0x1] =	vst.idx.msk $0xffff, v6;
	s19 =	sadd.s32 $0x80, s19  }
0x2f: {  	p0 =	por p1, p1;
	s20 =	simm.s32 $0x6;
	[tilespmem:v0+s18+$0x20 ss:$0x1] =	vst.idx.msk $0xffff, v7;
	v6 =	vld.idx.msk [tilespmem:v0+s19+$0x70 ss:$0x1], $0xffff  }
.LBB1_5:
0x30: {  	p1 =	sne.s32 s20, $0x1;
	v7 =	vld.idx.msk [tilespmem:v0+s19+$0x10 ss:$0x1], $0xffff;
	[tilespmem:v0+s18+$0x30 ss:$0x1] =	vst.idx.msk $0xffff, v1  }
0x31: {  	v8 =	vld.idx.msk [tilespmem:v0+s19+$0x20 ss:$0x1], $0xffff;
	[tilespmem:v0+s18+$0x40 ss:$0x1] =	vst.idx.msk $0xffff, v2  }
0x32: {  	v1 =	vld.idx.msk [tilespmem:v0+s19+$0x30 ss:$0x1], $0xffff;
	[tilespmem:v0+s18+$0x50 ss:$0x1] =	vst.idx.msk $0xffff, v3  }
.Ltmp3:
0x33: {  	v2 =	vld.idx.msk [tilespmem:v0+s19+$0x40 ss:$0x1], $0xffff;
	[tilespmem:v0+s18+$0x60 ss:$0x1] =	vst.idx.msk $0xffff, v4;
	(pc) =	sbr.rel @p1 .LBB1_5-.Ltmp3, $4  }
0x34: {  	v3 =	vld.idx.msk [tilespmem:v0+s19+$0x50 ss:$0x1], $0xffff;
	[tilespmem:v0+s18+$0x0 ss:$0x1] =	vst.idx.msk $0xffff, v5;
	s18 =	sadd.s32 $0x100, s18  }
0x35: {  	v4 =	vld.idx.msk [tilespmem:v0+s19+$0x60 ss:$0x1], $0xffff;
	[tilespmem:v0+s18+$0x70 ss:$0x1] =	vst.idx.msk $0xffff, v6  }
0x36: {  	v5 =	vld.idx.msk [tilespmem:v0+s19+$0x0 ss:$0x1], $0xffff;
	[tilespmem:v0+s18+$0x10 ss:$0x1] =	vst.idx.msk $0xffff, v7;
	s19 =	sadd.s32 $0x80, s19  }
0x37: {  	s20 =	sadd.s32 $0xFFFFFFFF, s20;
	v6 =	vld.idx.msk [tilespmem:v0+s19+$0x70 ss:$0x1], $0xffff;
	[tilespmem:v0+s18+$0x20 ss:$0x1] =	vst.idx.msk $0xffff, v8  }
0x38: {  	_ =	sdelay $0x3  }
0x39: {  	[tilespmem:v0+s18+$0x30 ss:$0x1] =	vst.idx.msk $0xffff, v1  }
0x3a: {  	v1 =	vld.idx.msk [tilespmem:v0+s19+$0x10 ss:$0x1], $0xffff;
	[tilespmem:v0+s18+$0x40 ss:$0x1] =	vst.idx.msk $0xffff, v2  }
0x3b: {  	v2 =	vld.idx.msk [tilespmem:v0+s19+$0x20 ss:$0x1], $0xffff;
	[tilespmem:v0+s18+$0x50 ss:$0x1] =	vst.idx.msk $0xffff, v3  }
0x3c: {  	v61 =	vld.idx.msk [tilespmem:v0+s19+$0x40 ss:$0x1], $0xffff;
	[tilespmem:v0+s18+$0x60 ss:$0x1] =	vst.idx.msk $0xffff, v4  }
0x3d: {  	s31 =	sadd.s32 $0x100, s18;
	v62 =	vld.idx.msk [tilespmem:v0+s19+$0x50 ss:$0x1], $0xffff;
	[tilespmem:v0+s18+$0x0 ss:$0x1] =	vst.idx.msk $0xffff, v5  }
0x3e: {  	v63 =	vld.idx.msk [tilespmem:v0+s19+$0x60 ss:$0x1], $0xffff;
	[tilespmem:v0+s31+$0x70 ss:$0x1] =	vst.idx.msk $0xffff, v6  }
0x3f: {  	v3 =	vld.idx.msk [tilespmem:v0+s19+$0x30 ss:$0x1], $0xffff;
	[tilespmem:v0+s31+$0x10 ss:$0x1] =	vst.idx.msk $0xffff, v1  }
0x40: {  	v1 =	vld.idx.msk [tilespmem:v0+s19+$0x0 ss:$0x1], $0xffff;
	[tilespmem:v0+s31+$0x20 ss:$0x1] =	vst.idx.msk $0xffff, v2  }
.Ltmp4:
0x41: {  	[tilespmem:v0+s31+$0x40 ss:$0x1] =	vst.idx.msk $0xffff, v61;
	(pc) =	sbr.rel @p0 .LBB1_4-.Ltmp4, $4  }
0x42: {  	[tilespmem:v0+s31+$0x50 ss:$0x1] =	vst.idx.msk $0xffff, v62  }
0x43: {  	[tilespmem:v0+s31+$0x60 ss:$0x1] =	vst.idx.msk $0xffff, v63  }
0x44: {  	[tilespmem:v0+s31+$0x30 ss:$0x1] =	vst.idx.msk $0xffff, v3  }
0x45: {  	p1 =	por $0x0, $0x0;
	s18 =	simm.s32 $0x1;
	[tilespmem:v0+s31+$0x0 ss:$0x1] =	vst.idx.msk $0xffff, v1  }
0x46: {  	s17 =	sadd.s32 $0x1, s17  }
0x47: {  	p0 =	sne.s32 s17, $0x8  }
.Ltmp5:
0x48: {  	_ = 	snop;
	(pc) =	sbr.rel @p0 .LBB1_3-.Ltmp5, $2  }
0x49: {  	_ =	sdelay $0x2  }
0x4a: {  	s16 =	sadd.s32 $0x2000, s16  }
.Ltmp6:
0x4b: {  	(pc) =	sbr.rel .LBB1_9-.Ltmp6, $4  }
0x4c: {  	_ = 	snop  }
0x4d: {  	s12 =	sshll.u32 s12, $0x8  }
0x4e: {  	s12 =	sadd.s32 s4, s12  }
0x4f: {  	[hbm4b:s12+s8] =	stream.linear.scatter [tilespmem:s13], [sflag:$0x2], $0x4000, $0x38;
	[tilespmem:$0x10000] =	vst v63  }
.LBB1_10:
0x50: {  	_ =	sfence.sel $0x180000  }
0x51: {  	s2 =	simm.s32 $0x1;
	[bflag:$0x0] =	sbarrier.arrive $0xFFFF  }
0x52: {  	s31 =	simm.s32 $0x2;
	[sflag:s2] =	ssyncpa.u1 $0x1  }
0x53: {  	[sflag:s31] =	ssyncpa.u1 $0x1  }
0x54: {  	p0 =	sne.s32 s0, $0x0;
	_ =	strace $0x90000047  }
0x55: {  	s0 =	sadd.s32 @!p0 $0x100000, s1;
	[bflag:$0x2] =	sbarrier.arrive $0xFFFF  }
0x56: {  	[sflag:s0] =	ssyncadd.tile.s32 @!p0 $0x1;
	_ =	shalt  }
.Lfunc_end1:
_tile_overlayer_lowered:
.L_overlay_start_2:
0x57: {  	(tag) =	ssettag $0x2  }
0x58: {  	s0 =	rddreg [dreg:$0x0];
	s2 =	stileid.u32  }
0x59: {  	s1 =	rddreg [dreg:$0x1];
	p0 =	sne.s32 s2, $0x0  }
0x5a: {  	s3 =	rddreg [dreg:$0x2];
	[bflag:$0x3] =	sbarrier.arrive $0xFFFF;
	s2 =	simm.s32 @!p0 $0x1C01  }
0x5b: {  	[timem:s3], [sflag:s2] =	dma.local @!p0 [hbm:s0], s1  }
0x5c: {  	s0 =	simm.s32 @!p0 $0x1  }
0x5d: {  	_ =	swait.ge @!p0 [sflag:s0], s1  }
0x5e: {  	s1 =	ssub.s32 @!p0 $0x0, s1;
	[sflag:s0] =	ssyncset.done @!p0 $0x0  }
0x5f: {  	[sflag:s0] =	ssyncadd.s32 @!p0 s1  }
0x60: {  	[bflag:$0x3] =	sbarrier.arrive $0xFFFF  }
0x61: {  	_ =	shalt  }

</sc_bundles>
